<compile_context>
chip_gen: v7x
topology: tpu7x:2x2x1
jax: 0.10.2.dev20260603
libtpu: 0.0.44.dev20260713+nightly
codegen_flags: <defaults>
</compile_context>

<pallas_src>
import jax
import jax.numpy as jnp
from jax import lax
from jax.experimental import pallas as pl
from jax.experimental.pallas import tpu as pltpu
from jax.experimental.pallas import tpu_sc as plsc

VOCAB = 100000
DIM = 64
BATCH = 16384

NUM_CORES = 2
NUM_SUBCORES = 16
LANES = 16
NW = NUM_CORES * NUM_SUBCORES
BPW = BATCH // NW
QB = 128
QPASS = BPW // QB

BIAS_ROWS = VOCAB // LANES

HALF = VOCAB // 2


def _glove_body(tix_hbm, cix_hbm, t2_hbm, c2_hbm, tbp_hbm, cbp_hbm,
                out_hbm, idx_t, idx_c, idx_tb, idx_cb,
                te, ce, tbr, cbr, bsel, outv, sem0, sem1, sem2, sem3):
    wid = lax.axis_index("s") * NUM_CORES + lax.axis_index("c")
    base = wid * BPW

    pltpu.sync_copy(tix_hbm.at[pl.ds(base, BPW)], idx_t)
    pltpu.sync_copy(cix_hbm.at[pl.ds(base, BPW)], idx_c)

    def shift_body(g, carry):
        j0 = g * LANES
        ti = idx_t[pl.ds(j0, LANES)]
        ci = idx_c[pl.ds(j0, LANES)]
        idx_tb[pl.ds(j0, LANES)] = lax.shift_right_logical(ti, 4)
        idx_cb[pl.ds(j0, LANES)] = lax.shift_right_logical(ci, 4)
        return carry

    lax.fori_loop(0, BPW // LANES, shift_body, 0)

    ge0 = pltpu.async_copy(t2_hbm.at[idx_t], te, sem0)
    ge1 = pltpu.async_copy(c2_hbm.at[idx_c], ce, sem1)

    lane = lax.iota(jnp.int32, LANES)
    dn = lax.GatherDimensionNumbers(
        offset_dims=(), collapsed_slice_dims=(0,), start_index_map=(0,))
    perms = [(lane ^ sh).reshape(LANES, 1) for sh in (1, 2, 4, 8)]

    def hsum(v):
        for p_ix in perms:
            v = v + lax.gather(v, p_ix, dn, slice_sizes=(1,),
                               mode=lax.GatherScatterMode.PROMISE_IN_BOUNDS)
        return v

    for q in range(QPASS):
        c0 = q * QB
        g2 = pltpu.async_copy(tbp_hbm.at[idx_tb.at[pl.ds(c0, QB)]], tbr, sem2)
        g3 = pltpu.async_copy(cbp_hbm.at[idx_cb.at[pl.ds(c0, QB)]], cbr, sem3)
        g2.wait()
        g3.wait()
        for g in range(QB // LANES):
            j0 = g * LANES
            rowv = j0 + lane
            tiv = idx_t[pl.ds(c0 + j0, LANES)]
            civ = idx_c[pl.ds(c0 + j0, LANES)]
            tb_sel = plsc.load_gather(tbr, [rowv, tiv & (LANES - 1)])
            cb_sel = plsc.load_gather(cbr, [rowv, civ & (LANES - 1)])
            bsel[pl.ds(c0 + j0, LANES)] = tb_sel + cb_sel

    ge0.wait()
    ge1.wait()

    def group(g, carry):
        j0 = g * LANES
        acc = bsel[pl.ds(j0, LANES)]
        for r in range(LANES):
            row = j0 + r
            p = te[row, pl.ds(0, LANES)] * ce[row, pl.ds(0, LANES)]
            for k in range(1, DIM // LANES):
                p = p + te[row, pl.ds(k * LANES, LANES)] * ce[row, pl.ds(k * LANES, LANES)]
            acc = jnp.where(lane == r, hsum(p) + acc, acc)
        outv[pl.ds(j0, LANES)] = acc
        return carry

    lax.fori_loop(0, BPW // LANES, group, 0)

    pltpu.sync_copy(outv, out_hbm.at[pl.ds(base, BPW)])


@jax.jit
def kernel(inputs, target_emb, target_bias, context_emb, context_bias):
    t_ix = inputs[:, 0].astype(jnp.int32)
    c_ix = inputs[:, 1].astype(jnp.int32)
    t2 = target_emb
    c2 = context_emb
    tbp = target_bias.reshape(BIAS_ROWS, LANES)
    cbp = context_bias.reshape(BIAS_ROWS, LANES)

    mesh = plsc.VectorSubcoreMesh(
        core_axis_name="c", subcore_axis_name="s",
        num_cores=NUM_CORES, num_subcores=NUM_SUBCORES)

    run = pl.kernel(
        _glove_body,
        out_type=jax.ShapeDtypeStruct((BATCH,), jnp.float32),
        mesh=mesh,
        compiler_params=pltpu.CompilerParams(
            use_tc_tiling_on_sc=False, needs_layout_passes=False),
        scratch_types=[
            pltpu.VMEM((BPW,), jnp.int32),
            pltpu.VMEM((BPW,), jnp.int32),
            pltpu.VMEM((BPW,), jnp.int32),
            pltpu.VMEM((BPW,), jnp.int32),
            pltpu.VMEM((BPW, DIM), jnp.float32),
            pltpu.VMEM((BPW, DIM), jnp.float32),
            pltpu.VMEM((QB, LANES), jnp.float32),
            pltpu.VMEM((QB, LANES), jnp.float32),
            pltpu.VMEM((BPW,), jnp.float32),
            pltpu.VMEM((BPW,), jnp.float32),
            pltpu.SemaphoreType.DMA,
            pltpu.SemaphoreType.DMA,
            pltpu.SemaphoreType.DMA,
            pltpu.SemaphoreType.DMA,
        ],
    )
    out = run(t_ix, c_ix, t2, c2, tbp, cbp)
    return out.reshape(BATCH, 1)

# --- scband reference (transcript-rebuilt; emitter-appended) ---
"""Pipeline reference for scband-glove-model-61392262529459 (READ-ONLY COPY).

The authoritative reference and input builder live on the scoring server;
editing this copy changes nothing except your own understanding.
"""

import jax, jax.numpy as jnp
import numpy as np

VOCAB = 100000
DIM = 64
BATCH = 16384

def setup_inputs(seed: int = 0) -> dict:
    key = jax.random.key(seed)
    k1, k2, k3, k4, k5 = jax.random.split(key, 5)
    inputs = jax.random.randint(k1, (BATCH, 2), 0, VOCAB, dtype=jnp.int64 if jax.config.jax_enable_x64 else jnp.int32)
    target_emb = jax.random.normal(k2, (VOCAB, DIM), dtype=jnp.float32) * 0.05
    target_bias = jax.random.normal(k3, (VOCAB, 1), dtype=jnp.float32) * 0.05
    context_emb = jax.random.normal(k4, (VOCAB, DIM), dtype=jnp.float32) * 0.05
    context_bias = jax.random.normal(k5, (VOCAB, 1), dtype=jnp.float32) * 0.05
    return {"inputs": inputs, "target_emb": target_emb, "target_bias": target_bias,
            "context_emb": context_emb, "context_bias": context_bias}

def reference(inputs, target_emb, target_bias, context_emb, context_bias):
    target_ix = inputs[:, 0]
    context_ix = inputs[:, 1]
    te = jnp.take(target_emb, target_ix, axis=0)        # (N, dim)
    tb = jnp.take(target_bias, target_ix, axis=0)       # (N, 1)
    ce = jnp.take(context_emb, context_ix, axis=0)      # (N, dim)
    cb = jnp.take(context_bias, context_ix, axis=0)     # (N, 1)
    dot_product = jnp.sum(te * ce, axis=-1, keepdims=True)  # Dot(axes=-1) -> (N, 1)
    prediction = dot_product + tb + cb                      # Add -> (N, 1)
    return prediction

if __name__ == "__main__":
    import jax
    _d = setup_inputs()
    print(jax.jit(kernel)(*tuple(_d.values())))

</pallas_src>

<mosaic_0001>
#map = affine_map<(d0, d1) -> (0)>
#map1 = affine_map<(d0, d1) -> (0, 0)>
module attributes {stable_mosaic.version = 14 : i64} {
  func.func @_glove_body(%arg0: i32, %arg1: i32, %arg2: memref<16384xi32, #tpu.memory_space<hbm>>, %arg3: memref<16384xi32, #tpu.memory_space<hbm>>, %arg4: memref<100000x64xf32, #tpu.memory_space<hbm>>, %arg5: memref<100000x64xf32, #tpu.memory_space<hbm>>, %arg6: memref<6250x16xf32, #tpu.memory_space<hbm>>, %arg7: memref<6250x16xf32, #tpu.memory_space<hbm>>, %arg8: memref<16384xf32, #tpu.memory_space<hbm>>, %arg9: memref<512xi32, #tpu.memory_space<vmem>>, %arg10: memref<512xi32, #tpu.memory_space<vmem>>, %arg11: memref<512xi32, #tpu.memory_space<vmem>>, %arg12: memref<512xi32, #tpu.memory_space<vmem>>, %arg13: memref<512x64xf32, #tpu.memory_space<vmem>>, %arg14: memref<512x64xf32, #tpu.memory_space<vmem>>, %arg15: memref<128x16xf32, #tpu.memory_space<vmem>>, %arg16: memref<128x16xf32, #tpu.memory_space<vmem>>, %arg17: memref<512xf32, #tpu.memory_space<vmem>>, %arg18: memref<512xf32, #tpu.memory_space<vmem>>, %arg19: memref<!tpu.dma_semaphore, #tpu.memory_space<semaphore_mem>>, %arg20: memref<!tpu.dma_semaphore, #tpu.memory_space<semaphore_mem>>, %arg21: memref<!tpu.dma_semaphore, #tpu.memory_space<semaphore_mem>>, %arg22: memref<!tpu.dma_semaphore, #tpu.memory_space<semaphore_mem>>) attributes {dimension_semantics = [#tpu.dimension_semantics<core_parallel>, #tpu.dimension_semantics<subcore_parallel>], iteration_bounds = array<i64: 2, 16>, scalar_prefetch = 0 : i64, scratch_operands = 14 : i64, tpu.core_type = #tpu.core_type<sc_vector_subcore>, window_params = [{transform_indices = #map}, {transform_indices = #map}, {transform_indices = #map1}, {transform_indices = #map1}, {transform_indices = #map1}, {transform_indices = #map1}, {transform_indices = #map}]} {
    %mul3A = arith.constant 2 : i32
    %mul3A_0 = arith.muli %arg1, %mul3A : i32
    %add3A = arith.addi %mul3A_0, %arg0 : i32
    %mul3A_1 = arith.constant 512 : i32
    %mul3A_2 = arith.muli %add3A, %mul3A_1 : i32
    "tpu.region"() ({
      %run_scoped3A = tpu.sem_alloc : memref<!tpu.dma_semaphore, #tpu.memory_space<semaphore_mem>>
      %dma_start3A_690 = tpu.memref_slice %arg2[%mul3A_2] : memref<16384xi32, #tpu.memory_space<hbm>> -> memref<512xi32, #tpu.memory_space<hbm>>
      %dma_start3A_691 = tpu.memref_slice %arg2[%mul3A_2] : memref<16384xi32, #tpu.memory_space<hbm>> -> memref<512xi32, #tpu.memory_space<hbm>>
      tpu.enqueue_dma source(%dma_start3A_691 : memref<512xi32, #tpu.memory_space<hbm>>) target(%arg9 : memref<512xi32, #tpu.memory_space<vmem>>) target_semaphore(%run_scoped3A : memref<!tpu.dma_semaphore, #tpu.memory_space<semaphore_mem>>)
      %dma_wait3A_692 = tpu.memref_slice %arg2[%mul3A_2] : memref<16384xi32, #tpu.memory_space<hbm>> -> memref<512xi32, #tpu.memory_space<hbm>>
      %dma_wait3A_693 = tpu.memref_slice %arg2[%mul3A_2] : memref<16384xi32, #tpu.memory_space<hbm>> -> memref<512xi32, #tpu.memory_space<hbm>>
      tpu.wait_dma2 semaphore(%run_scoped3A : memref<!tpu.dma_semaphore, #tpu.memory_space<semaphore_mem>>) src(%dma_wait3A_693 : memref<512xi32, #tpu.memory_space<hbm>>) dst(%arg9 : memref<512xi32, #tpu.memory_space<vmem>>)
      tpu.yield
    }) : () -> ()
    "tpu.region"() ({
      %run_scoped3A = tpu.sem_alloc : memref<!tpu.dma_semaphore, #tpu.memory_space<semaphore_mem>>
      %dma_start3A_690 = tpu.memref_slice %arg3[%mul3A_2] : memref<16384xi32, #tpu.memory_space<hbm>> -> memref<512xi32, #tpu.memory_space<hbm>>
      %dma_start3A_691 = tpu.memref_slice %arg3[%mul3A_2] : memref<16384xi32, #tpu.memory_space<hbm>> -> memref<512xi32, #tpu.memory_space<hbm>>
      tpu.enqueue_dma source(%dma_start3A_691 : memref<512xi32, #tpu.memory_space<hbm>>) target(%arg10 : memref<512xi32, #tpu.memory_space<vmem>>) target_semaphore(%run_scoped3A : memref<!tpu.dma_semaphore, #tpu.memory_space<semaphore_mem>>)
      %dma_wait3A_692 = tpu.memref_slice %arg3[%mul3A_2] : memref<16384xi32, #tpu.memory_space<hbm>> -> memref<512xi32, #tpu.memory_space<hbm>>
      %dma_wait3A_693 = tpu.memref_slice %arg3[%mul3A_2] : memref<16384xi32, #tpu.memory_space<hbm>> -> memref<512xi32, #tpu.memory_space<hbm>>
      tpu.wait_dma2 semaphore(%run_scoped3A : memref<!tpu.dma_semaphore, #tpu.memory_space<semaphore_mem>>) src(%dma_wait3A_693 : memref<512xi32, #tpu.memory_space<hbm>>) dst(%arg10 : memref<512xi32, #tpu.memory_space<vmem>>)
      tpu.yield
    }) : () -> ()
    %scan3A = arith.constant 0 : i32
    %scan3A_3 = arith.constant 0 : i32
    %scan3A_4 = arith.constant 32 : i32
    %scan3A_5 = arith.addi %scan3A_3, %scan3A_4 : i32
    %scan3A_6 = arith.constant 1 : i32
    scf.for %scan3A_690 = %scan3A_3 to %scan3A_5 step %scan3A_6  : i32 {
      %mul3A_691 = arith.constant 16 : i32
      %mul3A_692 = arith.muli %scan3A_690, %mul3A_691 : i32
      %get3A_693 = arith.index_cast %mul3A_692 : i32 to index
      %get3A_694 = tpu.vector_load %arg9[%get3A_693] {strides = array<i32>} : memref<512xi32, #tpu.memory_space<vmem>>, vector<16xi32>,
      %get3A_695 = arith.index_cast %mul3A_692 : i32 to index
      %get3A_696 = tpu.vector_load %arg10[%get3A_695] {strides = array<i32>} : memref<512xi32, #tpu.memory_space<vmem>>, vector<16xi32>,
      %shift_right_logical3A = arith.constant 4 : i32
      %shift_right_logical3A_697 = vector.broadcast %shift_right_logical3A : i32 to vector<16xi32>
      %shift_right_logical3A_698 = arith.shrui %get3A_694, %shift_right_logical3A_697 : vector<16xi32>
      %swap3A_699 = arith.index_cast %mul3A_692 : i32 to index
      %swap3A_700 = tpu.vector_load %arg11[%swap3A_699] {strides = array<i32>} : memref<512xi32, #tpu.memory_space<vmem>>, vector<16xi32>,
      tpu.vector_store %arg11[%swap3A_699], %shift_right_logical3A_698 {strides = array<i32>} : memref<512xi32, #tpu.memory_space<vmem>>, vector<16xi32>,
      %shift_right_logical3A_701 = arith.constant 4 : i32
      %shift_right_logical3A_702 = vector.broadcast %shift_right_logical3A_701 : i32 to vector<16xi32>
      %shift_right_logical3A_703 = arith.shrui %get3A_696, %shift_right_logical3A_702 : vector<16xi32>
      %swap3A_704 = arith.index_cast %mul3A_692 : i32 to index
      %swap3A_705 = tpu.vector_load %arg12[%swap3A_704] {strides = array<i32>} : memref<512xi32, #tpu.memory_space<vmem>>, vector<16xi32>,
      tpu.vector_store %arg12[%swap3A_704], %shift_right_logical3A_703 {strides = array<i32>} : memref<512xi32, #tpu.memory_space<vmem>>, vector<16xi32>,
    }
    %scan3A_7 = arith.constant 32 : i32
    %dma_start3A = arith.constant 0 : i32
    %dma_start3A_8 = arith.constant 0 : i32
    %dma_start3A_9 = tpu.memref_slice %arg4[%dma_start3A, %dma_start3A_8] : memref<100000x64xf32, #tpu.memory_space<hbm>> -> memref<100000x64xf32, #tpu.memory_space<hbm>>
    tpu.enqueue_indirect_dma source(%dma_start3A_9 : memref<100000x64xf32, #tpu.memory_space<hbm>>) target(%arg13 : memref<512x64xf32, #tpu.memory_space<vmem>>) offsets(%arg9 : memref<512xi32, #tpu.memory_space<vmem>>) semaphore(%arg19 : memref<!tpu.dma_semaphore, #tpu.memory_space<semaphore_mem>>)
    %dma_start3A_10 = arith.constant 0 : i32
    %dma_start3A_11 = arith.constant 0 : i32
    %dma_start3A_12 = tpu.memref_slice %arg5[%dma_start3A_10, %dma_start3A_11] : memref<100000x64xf32, #tpu.memory_space<hbm>> -> memref<100000x64xf32, #tpu.memory_space<hbm>>
    tpu.enqueue_indirect_dma source(%dma_start3A_12 : memref<100000x64xf32, #tpu.memory_space<hbm>>) target(%arg14 : memref<512x64xf32, #tpu.memory_space<vmem>>) offsets(%arg10 : memref<512xi32, #tpu.memory_space<vmem>>) semaphore(%arg20 : memref<!tpu.dma_semaphore, #tpu.memory_space<semaphore_mem>>)
    %iota3A = tpu.iota {dimensions = array<i32: 0>} : vector<16xi32>
    %xor3A = arith.constant 1 : i32
    %xor3A_13 = vector.broadcast %xor3A : i32 to vector<16xi32>
    %xor3A_14 = arith.xori %iota3A, %xor3A_13 : vector<16xi32>
    %reshape3A = vector.shape_cast %xor3A_14 : vector<16xi32> to vector<16x1xi32>
    %xor3A_15 = arith.constant 2 : i32
    %xor3A_16 = vector.broadcast %xor3A_15 : i32 to vector<16xi32>
    %xor3A_17 = arith.xori %iota3A, %xor3A_16 : vector<16xi32>
    %reshape3A_18 = vector.shape_cast %xor3A_17 : vector<16xi32> to vector<16x1xi32>
    %xor3A_19 = arith.constant 4 : i32
    %xor3A_20 = vector.broadcast %xor3A_19 : i32 to vector<16xi32>
    %xor3A_21 = arith.xori %iota3A, %xor3A_20 : vector<16xi32>
    %reshape3A_22 = vector.shape_cast %xor3A_21 : vector<16xi32> to vector<16x1xi32>
    %xor3A_23 = arith.constant 8 : i32
    %xor3A_24 = vector.broadcast %xor3A_23 : i32 to vector<16xi32>
    %xor3A_25 = arith.xori %iota3A, %xor3A_24 : vector<16xi32>
    %reshape3A_26 = vector.shape_cast %xor3A_25 : vector<16xi32> to vector<16x1xi32>
    %dma_start3A_27 = arith.constant 0 : i32
    %dma_start3A_28 = tpu.memref_slice %arg11[%dma_start3A_27] : memref<512xi32, #tpu.memory_space<vmem>> -> memref<128xi32, #tpu.memory_space<vmem>>
    %dma_start3A_29 = arith.constant 0 : i32
    %dma_start3A_30 = arith.constant 0 : i32
    %dma_start3A_31 = tpu.memref_slice %arg6[%dma_start3A_29, %dma_start3A_30] : memref<6250x16xf32, #tpu.memory_space<hbm>> -> memref<6250x16xf32, #tpu.memory_space<hbm>>
    tpu.enqueue_indirect_dma source(%dma_start3A_31 : memref<6250x16xf32, #tpu.memory_space<hbm>>) target(%arg15 : memref<128x16xf32, #tpu.memory_space<vmem>>) offsets(%dma_start3A_28 : memref<128xi32, #tpu.memory_space<vmem>>) semaphore(%arg21 : memref<!tpu.dma_semaphore, #tpu.memory_space<semaphore_mem>>)
    %dma_start3A_32 = arith.constant 0 : i32
    %dma_start3A_33 = tpu.memref_slice %arg12[%dma_start3A_32] : memref<512xi32, #tpu.memory_space<vmem>> -> memref<128xi32, #tpu.memory_space<vmem>>
    %dma_start3A_34 = arith.constant 0 : i32
    %dma_start3A_35 = arith.constant 0 : i32
    %dma_start3A_36 = tpu.memref_slice %arg7[%dma_start3A_34, %dma_start3A_35] : memref<6250x16xf32, #tpu.memory_space<hbm>> -> memref<6250x16xf32, #tpu.memory_space<hbm>>
    tpu.enqueue_indirect_dma source(%dma_start3A_36 : memref<6250x16xf32, #tpu.memory_space<hbm>>) target(%arg16 : memref<128x16xf32, #tpu.memory_space<vmem>>) offsets(%dma_start3A_33 : memref<128xi32, #tpu.memory_space<vmem>>) semaphore(%arg22 : memref<!tpu.dma_semaphore, #tpu.memory_space<semaphore_mem>>)
    %dma_wait3A = arith.constant 0 : i32
    %dma_wait3A_37 = tpu.memref_slice %arg11[%dma_wait3A] : memref<512xi32, #tpu.memory_space<vmem>> -> memref<128xi32, #tpu.memory_space<vmem>>
    %dma_wait3A_38 = arith.constant 0 : i32
    %dma_wait3A_39 = arith.constant 0 : i32
    %dma_wait3A_40 = tpu.memref_slice %arg6[%dma_wait3A_38, %dma_wait3A_39] : memref<6250x16xf32, #tpu.memory_space<hbm>> -> memref<6250x16xf32, #tpu.memory_space<hbm>>
    tpu.wait_indirect_dma semaphore(%arg21 : memref<!tpu.dma_semaphore, #tpu.memory_space<semaphore_mem>>) src(%dma_wait3A_40 : memref<6250x16xf32, #tpu.memory_space<hbm>>) dst(%arg15 : memref<128x16xf32, #tpu.memory_space<vmem>>)
    %dma_wait3A_41 = arith.constant 0 : i32
    %dma_wait3A_42 = tpu.memref_slice %arg12[%dma_wait3A_41] : memref<512xi32, #tpu.memory_space<vmem>> -> memref<128xi32, #tpu.memory_space<vmem>>
    %dma_wait3A_43 = arith.constant 0 : i32
    %dma_wait3A_44 = arith.constant 0 : i32
    %dma_wait3A_45 = tpu.memref_slice %arg7[%dma_wait3A_43, %dma_wait3A_44] : memref<6250x16xf32, #tpu.memory_space<hbm>> -> memref<6250x16xf32, #tpu.memory_space<hbm>>
    tpu.wait_indirect_dma semaphore(%arg22 : memref<!tpu.dma_semaphore, #tpu.memory_space<semaphore_mem>>) src(%dma_wait3A_45 : memref<6250x16xf32, #tpu.memory_space<hbm>>) dst(%arg16 : memref<128x16xf32, #tpu.memory_space<vmem>>)
    %add3A_46 = arith.constant 0 : i32
    %add3A_47 = vector.broadcast %add3A_46 : i32 to vector<16xi32>
    %add3A_48 = arith.addi %add3A_47, %iota3A : vector<16xi32>
    %get3A = arith.constant 0 : index
    %get3A_49 = tpu.vector_load %arg9[%get3A] {strides = array<i32>} : memref<512xi32, #tpu.memory_space<vmem>>, vector<16xi32>,
    %get3A_50 = arith.constant 0 : index
    %get3A_51 = tpu.vector_load %arg10[%get3A_50] {strides = array<i32>} : memref<512xi32, #tpu.memory_space<vmem>>, vector<16xi32>,
    %and3A = arith.constant 15 : i32
    %and3A_52 = vector.broadcast %and3A : i32 to vector<16xi32>
    %and3A_53 = arith.andi %get3A_49, %and3A_52 : vector<16xi32>
    %gather3A = tpu.vector_load_idx %arg15[%add3A_48, %and3A_53] : memref<128x16xf32, #tpu.memory_space<vmem>>[vector<16xi32>, vector<16xi32>], vector<16xf32>,
    %and3A_54 = arith.constant 15 : i32
    %and3A_55 = vector.broadcast %and3A_54 : i32 to vector<16xi32>
    %and3A_56 = arith.andi %get3A_51, %and3A_55 : vector<16xi32>
    %gather3A_57 = tpu.vector_load_idx %arg16[%add3A_48, %and3A_56] : memref<128x16xf32, #tpu.memory_space<vmem>>[vector<16xi32>, vector<16xi32>], vector<16xf32>,
    %add3A_58 = arith.addf %gather3A, %gather3A_57 : vector<16xf32>
    %swap3A = arith.constant 0 : index
    %swap3A_59 = tpu.vector_load %arg17[%swap3A] {strides = array<i32>} : memref<512xf32, #tpu.memory_space<vmem>>, vector<16xf32>,
    tpu.vector_store %arg17[%swap3A], %add3A_58 {strides = array<i32>} : memref<512xf32, #tpu.memory_space<vmem>>, vector<16xf32>,
    %add3A_60 = arith.constant 16 : i32
    %add3A_61 = vector.broadcast %add3A_60 : i32 to vector<16xi32>
    %add3A_62 = arith.addi %add3A_61, %iota3A : vector<16xi32>
    %get3A_63 = arith.constant 16 : index
    %get3A_64 = tpu.vector_load %arg9[%get3A_63] {strides = array<i32>} : memref<512xi32, #tpu.memory_space<vmem>>, vector<16xi32>,
    %get3A_65 = arith.constant 16 : index
    %get3A_66 = tpu.vector_load %arg10[%get3A_65] {strides = array<i32>} : memref<512xi32, #tpu.memory_space<vmem>>, vector<16xi32>,
    %and3A_67 = arith.constant 15 : i32
    %and3A_68 = vector.broadcast %and3A_67 : i32 to vector<16xi32>
    %and3A_69 = arith.andi %get3A_64, %and3A_68 : vector<16xi32>
    %gather3A_70 = tpu.vector_load_idx %arg15[%add3A_62, %and3A_69] : memref<128x16xf32, #tpu.memory_space<vmem>>[vector<16xi32>, vector<16xi32>], vector<16xf32>,
    %and3A_71 = arith.constant 15 : i32
    %and3A_72 = vector.broadcast %and3A_71 : i32 to vector<16xi32>
    %and3A_73 = arith.andi %get3A_66, %and3A_72 : vector<16xi32>
    %gather3A_74 = tpu.vector_load_idx %arg16[%add3A_62, %and3A_73] : memref<128x16xf32, #tpu.memory_space<vmem>>[vector<16xi32>, vector<16xi32>], vector<16xf32>,
    %add3A_75 = arith.addf %gather3A_70, %gather3A_74 : vector<16xf32>
    %swap3A_76 = arith.constant 16 : index
    %swap3A_77 = tpu.vector_load %arg17[%swap3A_76] {strides = array<i32>} : memref<512xf32, #tpu.memory_space<vmem>>, vector<16xf32>,
    tpu.vector_store %arg17[%swap3A_76], %add3A_75 {strides = array<i32>} : memref<512xf32, #tpu.memory_space<vmem>>, vector<16xf32>,
    %add3A_78 = arith.constant 32 : i32
    %add3A_79 = vector.broadcast %add3A_78 : i32 to vector<16xi32>
    %add3A_80 = arith.addi %add3A_79, %iota3A : vector<16xi32>
    %get3A_81 = arith.constant 32 : index
    %get3A_82 = tpu.vector_load %arg9[%get3A_81] {strides = array<i32>} : memref<512xi32, #tpu.memory_space<vmem>>, vector<16xi32>,
    %get3A_83 = arith.constant 32 : index
    %get3A_84 = tpu.vector_load %arg10[%get3A_83] {strides = array<i32>} : memref<512xi32, #tpu.memory_space<vmem>>, vector<16xi32>,
    %and3A_85 = arith.constant 15 : i32
    %and3A_86 = vector.broadcast %and3A_85 : i32 to vector<16xi32>
    %and3A_87 = arith.andi %get3A_82, %and3A_86 : vector<16xi32>
    %gather3A_88 = tpu.vector_load_idx %arg15[%add3A_80, %and3A_87] : memref<128x16xf32, #tpu.memory_space<vmem>>[vector<16xi32>, vector<16xi32>], vector<16xf32>,
    %and3A_89 = arith.constant 15 : i32
    %and3A_90 = vector.broadcast %and3A_89 : i32 to vector<16xi32>
    %and3A_91 = arith.andi %get3A_84, %and3A_90 : vector<16xi32>
    %gather3A_92 = tpu.vector_load_idx %arg16[%add3A_80, %and3A_91] : memref<128x16xf32, #tpu.memory_space<vmem>>[vector<16xi32>, vector<16xi32>], vector<16xf32>,
    %add3A_93 = arith.addf %gather3A_88, %gather3A_92 : vector<16xf32>
    %swap3A_94 = arith.constant 32 : index
    %swap3A_95 = tpu.vector_load %arg17[%swap3A_94] {strides = array<i32>} : memref<512xf32, #tpu.memory_space<vmem>>, vector<16xf32>,
    tpu.vector_store %arg17[%swap3A_94], %add3A_93 {strides = array<i32>} : memref<512xf32, #tpu.memory_space<vmem>>, vector<16xf32>,
    %add3A_96 = arith.constant 48 : i32
    %add3A_97 = vector.broadcast %add3A_96 : i32 to vector<16xi32>
    %add3A_98 = arith.addi %add3A_97, %iota3A : vector<16xi32>
    %get3A_99 = arith.constant 48 : index
    %get3A_100 = tpu.vector_load %arg9[%get3A_99] {strides = array<i32>} : memref<512xi32, #tpu.memory_space<vmem>>, vector<16xi32>,
    %get3A_101 = arith.constant 48 : index
    %get3A_102 = tpu.vector_load %arg10[%get3A_101] {strides = array<i32>} : memref<512xi32, #tpu.memory_space<vmem>>, vector<16xi32>,
    %and3A_103 = arith.constant 15 : i32
    %and3A_104 = vector.broadcast %and3A_103 : i32 to vector<16xi32>
    %and3A_105 = arith.andi %get3A_100, %and3A_104 : vector<16xi32>
    %gather3A_106 = tpu.vector_load_idx %arg15[%add3A_98, %and3A_105] : memref<128x16xf32, #tpu.memory_space<vmem>>[vector<16xi32>, vector<16xi32>], vector<16xf32>,
    %and3A_107 = arith.constant 15 : i32
    %and3A_108 = vector.broadcast %and3A_107 : i32 to vector<16xi32>
    %and3A_109 = arith.andi %get3A_102, %and3A_108 : vector<16xi32>
    %gather3A_110 = tpu.vector_load_idx %arg16[%add3A_98, %and3A_109] : memref<128x16xf32, #tpu.memory_space<vmem>>[vector<16xi32>, vector<16xi32>], vector<16xf32>,
    %add3A_111 = arith.addf %gather3A_106, %gather3A_110 : vector<16xf32>
    %swap3A_112 = arith.constant 48 : index
    %swap3A_113 = tpu.vector_load %arg17[%swap3A_112] {strides = array<i32>} : memref<512xf32, #tpu.memory_space<vmem>>, vector<16xf32>,
    tpu.vector_store %arg17[%swap3A_112], %add3A_111 {strides = array<i32>} : memref<512xf32, #tpu.memory_space<vmem>>, vector<16xf32>,
    %add3A_114 = arith.constant 64 : i32
    %add3A_115 = vector.broadcast %add3A_114 : i32 to vector<16xi32>
    %add3A_116 = arith.addi %add3A_115, %iota3A : vector<16xi32>
    %get3A_117 = arith.constant 64 : index
    %get3A_118 = tpu.vector_load %arg9[%get3A_117] {strides = array<i32>} : memref<512xi32, #tpu.memory_space<vmem>>, vector<16xi32>,
    %get3A_119 = arith.constant 64 : index
    %get3A_120 = tpu.vector_load %arg10[%get3A_119] {strides = array<i32>} : memref<512xi32, #tpu.memory_space<vmem>>, vector<16xi32>,
    %and3A_121 = arith.constant 15 : i32
    %and3A_122 = vector.broadcast %and3A_121 : i32 to vector<16xi32>
    %and3A_123 = arith.andi %get3A_118, %and3A_122 : vector<16xi32>
    %gather3A_124 = tpu.vector_load_idx %arg15[%add3A_116, %and3A_123] : memref<128x16xf32, #tpu.memory_space<vmem>>[vector<16xi32>, vector<16xi32>], vector<16xf32>,
    %and3A_125 = arith.constant 15 : i32
    %and3A_126 = vector.broadcast %and3A_125 : i32 to vector<16xi32>
    %and3A_127 = arith.andi %get3A_120, %and3A_126 : vector<16xi32>
    %gather3A_128 = tpu.vector_load_idx %arg16[%add3A_116, %and3A_127] : memref<128x16xf32, #tpu.memory_space<vmem>>[vector<16xi32>, vector<16xi32>], vector<16xf32>,
    %add3A_129 = arith.addf %gather3A_124, %gather3A_128 : vector<16xf32>
    %swap3A_130 = arith.constant 64 : index
    %swap3A_131 = tpu.vector_load %arg17[%swap3A_130] {strides = array<i32>} : memref<512xf32, #tpu.memory_space<vmem>>, vector<16xf32>,
    tpu.vector_store %arg17[%swap3A_130], %add3A_129 {strides = array<i32>} : memref<512xf32, #tpu.memory_space<vmem>>, vector<16xf32>,
    %add3A_132 = arith.constant 80 : i32
    %add3A_133 = vector.broadcast %add3A_132 : i32 to vector<16xi32>
    %add3A_134 = arith.addi %add3A_133, %iota3A : vector<16xi32>
    %get3A_135 = arith.constant 80 : index
    %get3A_136 = tpu.vector_load %arg9[%get3A_135] {strides = array<i32>} : memref<512xi32, #tpu.memory_space<vmem>>, vector<16xi32>,
    %get3A_137 = arith.constant 80 : index
    %get3A_138 = tpu.vector_load %arg10[%get3A_137] {strides = array<i32>} : memref<512xi32, #tpu.memory_space<vmem>>, vector<16xi32>,
    %and3A_139 = arith.constant 15 : i32
    %and3A_140 = vector.broadcast %and3A_139 : i32 to vector<16xi32>
    %and3A_141 = arith.andi %get3A_136, %and3A_140 : vector<16xi32>
    %gather3A_142 = tpu.vector_load_idx %arg15[%add3A_134, %and3A_141] : memref<128x16xf32, #tpu.memory_space<vmem>>[vector<16xi32>, vector<16xi32>], vector<16xf32>,
    %and3A_143 = arith.constant 15 : i32
    %and3A_144 = vector.broadcast %and3A_143 : i32 to vector<16xi32>
    %and3A_145 = arith.andi %get3A_138, %and3A_144 : vector<16xi32>
    %gather3A_146 = tpu.vector_load_idx %arg16[%add3A_134, %and3A_145] : memref<128x16xf32, #tpu.memory_space<vmem>>[vector<16xi32>, vector<16xi32>], vector<16xf32>,
    %add3A_147 = arith.addf %gather3A_142, %gather3A_146 : vector<16xf32>
    %swap3A_148 = arith.constant 80 : index
    %swap3A_149 = tpu.vector_load %arg17[%swap3A_148] {strides = array<i32>} : memref<512xf32, #tpu.memory_space<vmem>>, vector<16xf32>,
    tpu.vector_store %arg17[%swap3A_148], %add3A_147 {strides = array<i32>} : memref<512xf32, #tpu.memory_space<vmem>>, vector<16xf32>,
    %add3A_150 = arith.constant 96 : i32
    %add3A_151 = vector.broadcast %add3A_150 : i32 to vector<16xi32>
    %add3A_152 = arith.addi %add3A_151, %iota3A : vector<16xi32>
    %get3A_153 = arith.constant 96 : index
    %get3A_154 = tpu.vector_load %arg9[%get3A_153] {strides = array<i32>} : memref<512xi32, #tpu.memory_space<vmem>>, vector<16xi32>,
    %get3A_155 = arith.constant 96 : index
    %get3A_156 = tpu.vector_load %arg10[%get3A_155] {strides = array<i32>} : memref<512xi32, #tpu.memory_space<vmem>>, vector<16xi32>,
    %and3A_157 = arith.constant 15 : i32
    %and3A_158 = vector.broadcast %and3A_157 : i32 to vector<16xi32>
    %and3A_159 = arith.andi %get3A_154, %and3A_158 : vector<16xi32>
    %gather3A_160 = tpu.vector_load_idx %arg15[%add3A_152, %and3A_159] : memref<128x16xf32, #tpu.memory_space<vmem>>[vector<16xi32>, vector<16xi32>], vector<16xf32>,
    %and3A_161 = arith.constant 15 : i32
    %and3A_162 = vector.broadcast %and3A_161 : i32 to vector<16xi32>
    %and3A_163 = arith.andi %get3A_156, %and3A_162 : vector<16xi32>
    %gather3A_164 = tpu.vector_load_idx %arg16[%add3A_152, %and3A_163] : memref<128x16xf32, #tpu.memory_space<vmem>>[vector<16xi32>, vector<16xi32>], vector<16xf32>,
    %add3A_165 = arith.addf %gather3A_160, %gather3A_164 : vector<16xf32>
    %swap3A_166 = arith.constant 96 : index
    %swap3A_167 = tpu.vector_load %arg17[%swap3A_166] {strides = array<i32>} : memref<512xf32, #tpu.memory_space<vmem>>, vector<16xf32>,
    tpu.vector_store %arg17[%swap3A_166], %add3A_165 {strides = array<i32>} : memref<512xf32, #tpu.memory_space<vmem>>, vector<16xf32>,
    %add3A_168 = arith.constant 112 : i32
    %add3A_169 = vector.broadcast %add3A_168 : i32 to vector<16xi32>
    %add3A_170 = arith.addi %add3A_169, %iota3A : vector<16xi32>
    %get3A_171 = arith.constant 112 : index
    %get3A_172 = tpu.vector_load %arg9[%get3A_171] {strides = array<i32>} : memref<512xi32, #tpu.memory_space<vmem>>, vector<16xi32>,
    %get3A_173 = arith.constant 112 : index
    %get3A_174 = tpu.vector_load %arg10[%get3A_173] {strides = array<i32>} : memref<512xi32, #tpu.memory_space<vmem>>, vector<16xi32>,
    %and3A_175 = arith.constant 15 : i32
    %and3A_176 = vector.broadcast %and3A_175 : i32 to vector<16xi32>
    %and3A_177 = arith.andi %get3A_172, %and3A_176 : vector<16xi32>
    %gather3A_178 = tpu.vector_load_idx %arg15[%add3A_170, %and3A_177] : memref<128x16xf32, #tpu.memory_space<vmem>>[vector<16xi32>, vector<16xi32>], vector<16xf32>,
    %and3A_179 = arith.constant 15 : i32
    %and3A_180 = vector.broadcast %and3A_179 : i32 to vector<16xi32>
    %and3A_181 = arith.andi %get3A_174, %and3A_180 : vector<16xi32>
    %gather3A_182 = tpu.vector_load_idx %arg16[%add3A_170, %and3A_181] : memref<128x16xf32, #tpu.memory_space<vmem>>[vector<16xi32>, vector<16xi32>], vector<16xf32>,
    %add3A_183 = arith.addf %gather3A_178, %gather3A_182 : vector<16xf32>
    %swap3A_184 = arith.constant 112 : index
    %swap3A_185 = tpu.vector_load %arg17[%swap3A_184] {strides = array<i32>} : memref<512xf32, #tpu.memory_space<vmem>>, vector<16xf32>,
    tpu.vector_store %arg17[%swap3A_184], %add3A_183 {strides = array<i32>} : memref<512xf32, #tpu.memory_space<vmem>>, vector<16xf32>,
    %dma_start3A_186 = arith.constant 128 : i32
    %dma_start3A_187 = tpu.memref_slice %arg11[%dma_start3A_186] : memref<512xi32, #tpu.memory_space<vmem>> -> memref<128xi32, #tpu.memory_space<vmem>>
    %dma_start3A_188 = arith.constant 0 : i32
    %dma_start3A_189 = arith.constant 0 : i32
    %dma_start3A_190 = tpu.memref_slice %arg6[%dma_start3A_188, %dma_start3A_189] : memref<6250x16xf32, #tpu.memory_space<hbm>> -> memref<6250x16xf32, #tpu.memory_space<hbm>>
    tpu.enqueue_indirect_dma source(%dma_start3A_190 : memref<6250x16xf32, #tpu.memory_space<hbm>>) target(%arg15 : memref<128x16xf32, #tpu.memory_space<vmem>>) offsets(%dma_start3A_187 : memref<128xi32, #tpu.memory_space<vmem>>) semaphore(%arg21 : memref<!tpu.dma_semaphore, #tpu.memory_space<semaphore_mem>>)
    %dma_start3A_191 = arith.constant 128 : i32
    %dma_start3A_192 = tpu.memref_slice %arg12[%dma_start3A_191] : memref<512xi32, #tpu.memory_space<vmem>> -> memref<128xi32, #tpu.memory_space<vmem>>
    %dma_start3A_193 = arith.constant 0 : i32
    %dma_start3A_194 = arith.constant 0 : i32
    %dma_start3A_195 = tpu.memref_slice %arg7[%dma_start3A_193, %dma_start3A_194] : memref<6250x16xf32, #tpu.memory_space<hbm>> -> memref<6250x16xf32, #tpu.memory_space<hbm>>
    tpu.enqueue_indirect_dma source(%dma_start3A_195 : memref<6250x16xf32, #tpu.memory_space<hbm>>) target(%arg16 : memref<128x16xf32, #tpu.memory_space<vmem>>) offsets(%dma_start3A_192 : memref<128xi32, #tpu.memory_space<vmem>>) semaphore(%arg22 : memref<!tpu.dma_semaphore, #tpu.memory_space<semaphore_mem>>)
    %dma_wait3A_196 = arith.constant 128 : i32
    %dma_wait3A_197 = tpu.memref_slice %arg11[%dma_wait3A_196] : memref<512xi32, #tpu.memory_space<vmem>> -> memref<128xi32, #tpu.memory_space<vmem>>
    %dma_wait3A_198 = arith.constant 0 : i32
    %dma_wait3A_199 = arith.constant 0 : i32
    %dma_wait3A_200 = tpu.memref_slice %arg6[%dma_wait3A_198, %dma_wait3A_199] : memref<6250x16xf32, #tpu.memory_space<hbm>> -> memref<6250x16xf32, #tpu.memory_space<hbm>>
    tpu.wait_indirect_dma semaphore(%arg21 : memref<!tpu.dma_semaphore, #tpu.memory_space<semaphore_mem>>) src(%dma_wait3A_200 : memref<6250x16xf32, #tpu.memory_space<hbm>>) dst(%arg15 : memref<128x16xf32, #tpu.memory_space<vmem>>)
    %dma_wait3A_201 = arith.constant 128 : i32
    %dma_wait3A_202 = tpu.memref_slice %arg12[%dma_wait3A_201] : memref<512xi32, #tpu.memory_space<vmem>> -> memref<128xi32, #tpu.memory_space<vmem>>
    %dma_wait3A_203 = arith.constant 0 : i32
    %dma_wait3A_204 = arith.constant 0 : i32
    %dma_wait3A_205 = tpu.memref_slice %arg7[%dma_wait3A_203, %dma_wait3A_204] : memref<6250x16xf32, #tpu.memory_space<hbm>> -> memref<6250x16xf32, #tpu.memory_space<hbm>>
    tpu.wait_indirect_dma semaphore(%arg22 : memref<!tpu.dma_semaphore, #tpu.memory_space<semaphore_mem>>) src(%dma_wait3A_205 : memref<6250x16xf32, #tpu.memory_space<hbm>>) dst(%arg16 : memref<128x16xf32, #tpu.memory_space<vmem>>)
    %add3A_206 = arith.constant 0 : i32
    %add3A_207 = vector.broadcast %add3A_206 : i32 to vector<16xi32>
    %add3A_208 = arith.addi %add3A_207, %iota3A : vector<16xi32>
    %get3A_209 = arith.constant 128 : index
    %get3A_210 = tpu.vector_load %arg9[%get3A_209] {strides = array<i32>} : memref<512xi32, #tpu.memory_space<vmem>>, vector<16xi32>,
    %get3A_211 = arith.constant 128 : index
    %get3A_212 = tpu.vector_load %arg10[%get3A_211] {strides = array<i32>} : memref<512xi32, #tpu.memory_space<vmem>>, vector<16xi32>,
    %and3A_213 = arith.constant 15 : i32
    %and3A_214 = vector.broadcast %and3A_213 : i32 to vector<16xi32>
    %and3A_215 = arith.andi %get3A_210, %and3A_214 : vector<16xi32>
    %gather3A_216 = tpu.vector_load_idx %arg15[%add3A_208, %and3A_215] : memref<128x16xf32, #tpu.memory_space<vmem>>[vector<16xi32>, vector<16xi32>], vector<16xf32>,
    %and3A_217 = arith.constant 15 : i32
    %and3A_218 = vector.broadcast %and3A_217 : i32 to vector<16xi32>
    %and3A_219 = arith.andi %get3A_212, %and3A_218 : vector<16xi32>
    %gather3A_220 = tpu.vector_load_idx %arg16[%add3A_208, %and3A_219] : memref<128x16xf32, #tpu.memory_space<vmem>>[vector<16xi32>, vector<16xi32>], vector<16xf32>,
    %add3A_221 = arith.addf %gather3A_216, %gather3A_220 : vector<16xf32>
    %swap3A_222 = arith.constant 128 : index
    %swap3A_223 = tpu.vector_load %arg17[%swap3A_222] {strides = array<i32>} : memref<512xf32, #tpu.memory_space<vmem>>, vector<16xf32>,
    tpu.vector_store %arg17[%swap3A_222], %add3A_221 {strides = array<i32>} : memref<512xf32, #tpu.memory_space<vmem>>, vector<16xf32>,
    %add3A_224 = arith.constant 16 : i32
    %add3A_225 = vector.broadcast %add3A_224 : i32 to vector<16xi32>
    %add3A_226 = arith.addi %add3A_225, %iota3A : vector<16xi32>
    %get3A_227 = arith.constant 144 : index
    %get3A_228 = tpu.vector_load %arg9[%get3A_227] {strides = array<i32>} : memref<512xi32, #tpu.memory_space<vmem>>, vector<16xi32>,
    %get3A_229 = arith.constant 144 : index
    %get3A_230 = tpu.vector_load %arg10[%get3A_229] {strides = array<i32>} : memref<512xi32, #tpu.memory_space<vmem>>, vector<16xi32>,
    %and3A_231 = arith.constant 15 : i32
    %and3A_232 = vector.broadcast %and3A_231 : i32 to vector<16xi32>
    %and3A_233 = arith.andi %get3A_228, %and3A_232 : vector<16xi32>
    %gather3A_234 = tpu.vector_load_idx %arg15[%add3A_226, %and3A_233] : memref<128x16xf32, #tpu.memory_space<vmem>>[vector<16xi32>, vector<16xi32>], vector<16xf32>,
    %and3A_235 = arith.constant 15 : i32
    %and3A_236 = vector.broadcast %and3A_235 : i32 to vector<16xi32>
    %and3A_237 = arith.andi %get3A_230, %and3A_236 : vector<16xi32>
    %gather3A_238 = tpu.vector_load_idx %arg16[%add3A_226, %and3A_237] : memref<128x16xf32, #tpu.memory_space<vmem>>[vector<16xi32>, vector<16xi32>], vector<16xf32>,
    %add3A_239 = arith.addf %gather3A_234, %gather3A_238 : vector<16xf32>
    %swap3A_240 = arith.constant 144 : index
    %swap3A_241 = tpu.vector_load %arg17[%swap3A_240] {strides = array<i32>} : memref<512xf32, #tpu.memory_space<vmem>>, vector<16xf32>,
    tpu.vector_store %arg17[%swap3A_240], %add3A_239 {strides = array<i32>} : memref<512xf32, #tpu.memory_space<vmem>>, vector<16xf32>,
    %add3A_242 = arith.constant 32 : i32
    %add3A_243 = vector.broadcast %add3A_242 : i32 to vector<16xi32>
    %add3A_244 = arith.addi %add3A_243, %iota3A : vector<16xi32>
    %get3A_245 = arith.constant 160 : index
    %get3A_246 = tpu.vector_load %arg9[%get3A_245] {strides = array<i32>} : memref<512xi32, #tpu.memory_space<vmem>>, vector<16xi32>,
    %get3A_247 = arith.constant 160 : index
    %get3A_248 = tpu.vector_load %arg10[%get3A_247] {strides = array<i32>} : memref<512xi32, #tpu.memory_space<vmem>>, vector<16xi32>,
    %and3A_249 = arith.constant 15 : i32
    %and3A_250 = vector.broadcast %and3A_249 : i32 to vector<16xi32>
    %and3A_251 = arith.andi %get3A_246, %and3A_250 : vector<16xi32>
    %gather3A_252 = tpu.vector_load_idx %arg15[%add3A_244, %and3A_251] : memref<128x16xf32, #tpu.memory_space<vmem>>[vector<16xi32>, vector<16xi32>], vector<16xf32>,
    %and3A_253 = arith.constant 15 : i32
    %and3A_254 = vector.broadcast %and3A_253 : i32 to vector<16xi32>
    %and3A_255 = arith.andi %get3A_248, %and3A_254 : vector<16xi32>
    %gather3A_256 = tpu.vector_load_idx %arg16[%add3A_244, %and3A_255] : memref<128x16xf32, #tpu.memory_space<vmem>>[vector<16xi32>, vector<16xi32>], vector<16xf32>,
    %add3A_257 = arith.addf %gather3A_252, %gather3A_256 : vector<16xf32>
    %swap3A_258 = arith.constant 160 : index
    %swap3A_259 = tpu.vector_load %arg17[%swap3A_258] {strides = array<i32>} : memref<512xf32, #tpu.memory_space<vmem>>, vector<16xf32>,
    tpu.vector_store %arg17[%swap3A_258], %add3A_257 {strides = array<i32>} : memref<512xf32, #tpu.memory_space<vmem>>, vector<16xf32>,
    %add3A_260 = arith.constant 48 : i32
    %add3A_261 = vector.broadcast %add3A_260 : i32 to vector<16xi32>
    %add3A_262 = arith.addi %add3A_261, %iota3A : vector<16xi32>
    %get3A_263 = arith.constant 176 : index
    %get3A_264 = tpu.vector_load %arg9[%get3A_263] {strides = array<i32>} : memref<512xi32, #tpu.memory_space<vmem>>, vector<16xi32>,
    %get3A_265 = arith.constant 176 : index
    %get3A_266 = tpu.vector_load %arg10[%get3A_265] {strides = array<i32>} : memref<512xi32, #tpu.memory_space<vmem>>, vector<16xi32>,
    %and3A_267 = arith.constant 15 : i32
    %and3A_268 = vector.broadcast %and3A_267 : i32 to vector<16xi32>
    %and3A_269 = arith.andi %get3A_264, %and3A_268 : vector<16xi32>
    %gather3A_270 = tpu.vector_load_idx %arg15[%add3A_262, %and3A_269] : memref<128x16xf32, #tpu.memory_space<vmem>>[vector<16xi32>, vector<16xi32>], vector<16xf32>,
    %and3A_271 = arith.constant 15 : i32
    %and3A_272 = vector.broadcast %and3A_271 : i32 to vector<16xi32>
    %and3A_273 = arith.andi %get3A_266, %and3A_272 : vector<16xi32>
    %gather3A_274 = tpu.vector_load_idx %arg16[%add3A_262, %and3A_273] : memref<128x16xf32, #tpu.memory_space<vmem>>[vector<16xi32>, vector<16xi32>], vector<16xf32>,
    %add3A_275 = arith.addf %gather3A_270, %gather3A_274 : vector<16xf32>
    %swap3A_276 = arith.constant 176 : index
    %swap3A_277 = tpu.vector_load %arg17[%swap3A_276] {strides = array<i32>} : memref<512xf32, #tpu.memory_space<vmem>>, vector<16xf32>,
    tpu.vector_store %arg17[%swap3A_276], %add3A_275 {strides = array<i32>} : memref<512xf32, #tpu.memory_space<vmem>>, vector<16xf32>,
    %add3A_278 = arith.constant 64 : i32
    %add3A_279 = vector.broadcast %add3A_278 : i32 to vector<16xi32>
    %add3A_280 = arith.addi %add3A_279, %iota3A : vector<16xi32>
    %get3A_281 = arith.constant 192 : index
    %get3A_282 = tpu.vector_load %arg9[%get3A_281] {strides = array<i32>} : memref<512xi32, #tpu.memory_space<vmem>>, vector<16xi32>,
    %get3A_283 = arith.constant 192 : index
    %get3A_284 = tpu.vector_load %arg10[%get3A_283] {strides = array<i32>} : memref<512xi32, #tpu.memory_space<vmem>>, vector<16xi32>,
    %and3A_285 = arith.constant 15 : i32
    %and3A_286 = vector.broadcast %and3A_285 : i32 to vector<16xi32>
    %and3A_287 = arith.andi %get3A_282, %and3A_286 : vector<16xi32>
    %gather3A_288 = tpu.vector_load_idx %arg15[%add3A_280, %and3A_287] : memref<128x16xf32, #tpu.memory_space<vmem>>[vector<16xi32>, vector<16xi32>], vector<16xf32>,
    %and3A_289 = arith.constant 15 : i32
    %and3A_290 = vector.broadcast %and3A_289 : i32 to vector<16xi32>
    %and3A_291 = arith.andi %get3A_284, %and3A_290 : vector<16xi32>
    %gather3A_292 = tpu.vector_load_idx %arg16[%add3A_280, %and3A_291] : memref<128x16xf32, #tpu.memory_space<vmem>>[vector<16xi32>, vector<16xi32>], vector<16xf32>,
    %add3A_293 = arith.addf %gather3A_288, %gather3A_292 : vector<16xf32>
    %swap3A_294 = arith.constant 192 : index
    %swap3A_295 = tpu.vector_load %arg17[%swap3A_294] {strides = array<i32>} : memref<512xf32, #tpu.memory_space<vmem>>, vector<16xf32>,
    tpu.vector_store %arg17[%swap3A_294], %add3A_293 {strides = array<i32>} : memref<512xf32, #tpu.memory_space<vmem>>, vector<16xf32>,
    %add3A_296 = arith.constant 80 : i32
    %add3A_297 = vector.broadcast %add3A_296 : i32 to vector<16xi32>
    %add3A_298 = arith.addi %add3A_297, %iota3A : vector<16xi32>
    %get3A_299 = arith.constant 208 : index
    %get3A_300 = tpu.vector_load %arg9[%get3A_299] {strides = array<i32>} : memref<512xi32, #tpu.memory_space<vmem>>, vector<16xi32>,
    %get3A_301 = arith.constant 208 : index
    %get3A_302 = tpu.vector_load %arg10[%get3A_301] {strides = array<i32>} : memref<512xi32, #tpu.memory_space<vmem>>, vector<16xi32>,
    %and3A_303 = arith.constant 15 : i32
    %and3A_304 = vector.broadcast %and3A_303 : i32 to vector<16xi32>
    %and3A_305 = arith.andi %get3A_300, %and3A_304 : vector<16xi32>
    %gather3A_306 = tpu.vector_load_idx %arg15[%add3A_298, %and3A_305] : memref<128x16xf32, #tpu.memory_space<vmem>>[vector<16xi32>, vector<16xi32>], vector<16xf32>,
    %and3A_307 = arith.constant 15 : i32
    %and3A_308 = vector.broadcast %and3A_307 : i32 to vector<16xi32>
    %and3A_309 = arith.andi %get3A_302, %and3A_308 : vector<16xi32>
    %gather3A_310 = tpu.vector_load_idx %arg16[%add3A_298, %and3A_309] : memref<128x16xf32, #tpu.memory_space<vmem>>[vector<16xi32>, vector<16xi32>], vector<16xf32>,
    %add3A_311 = arith.addf %gather3A_306, %gather3A_310 : vector<16xf32>
    %swap3A_312 = arith.constant 208 : index
    %swap3A_313 = tpu.vector_load %arg17[%swap3A_312] {strides = array<i32>} : memref<512xf32, #tpu.memory_space<vmem>>, vector<16xf32>,
    tpu.vector_store %arg17[%swap3A_312], %add3A_311 {strides = array<i32>} : memref<512xf32, #tpu.memory_space<vmem>>, vector<16xf32>,
    %add3A_314 = arith.constant 96 : i32
    %add3A_315 = vector.broadcast %add3A_314 : i32 to vector<16xi32>
    %add3A_316 = arith.addi %add3A_315, %iota3A : vector<16xi32>
    %get3A_317 = arith.constant 224 : index
    %get3A_318 = tpu.vector_load %arg9[%get3A_317] {strides = array<i32>} : memref<512xi32, #tpu.memory_space<vmem>>, vector<16xi32>,
    %get3A_319 = arith.constant 224 : index
    %get3A_320 = tpu.vector_load %arg10[%get3A_319] {strides = array<i32>} : memref<512xi32, #tpu.memory_space<vmem>>, vector<16xi32>,
    %and3A_321 = arith.constant 15 : i32
    %and3A_322 = vector.broadcast %and3A_321 : i32 to vector<16xi32>
    %and3A_323 = arith.andi %get3A_318, %and3A_322 : vector<16xi32>
    %gather3A_324 = tpu.vector_load_idx %arg15[%add3A_316, %and3A_323] : memref<128x16xf32, #tpu.memory_space<vmem>>[vector<16xi32>, vector<16xi32>], vector<16xf32>,
    %and3A_325 = arith.constant 15 : i32
    %and3A_326 = vector.broadcast %and3A_325 : i32 to vector<16xi32>
    %and3A_327 = arith.andi %get3A_320, %and3A_326 : vector<16xi32>
    %gather3A_328 = tpu.vector_load_idx %arg16[%add3A_316, %and3A_327] : memref<128x16xf32, #tpu.memory_space<vmem>>[vector<16xi32>, vector<16xi32>], vector<16xf32>,
    %add3A_329 = arith.addf %gather3A_324, %gather3A_328 : vector<16xf32>
    %swap3A_330 = arith.constant 224 : index
    %swap3A_331 = tpu.vector_load %arg17[%swap3A_330] {strides = array<i32>} : memref<512xf32, #tpu.memory_space<vmem>>, vector<16xf32>,
    tpu.vector_store %arg17[%swap3A_330], %add3A_329 {strides = array<i32>} : memref<512xf32, #tpu.memory_space<vmem>>, vector<16xf32>,
    %add3A_332 = arith.constant 112 : i32
    %add3A_333 = vector.broadcast %add3A_332 : i32 to vector<16xi32>
    %add3A_334 = arith.addi %add3A_333, %iota3A : vector<16xi32>
    %get3A_335 = arith.constant 240 : index
    %get3A_336 = tpu.vector_load %arg9[%get3A_335] {strides = array<i32>} : memref<512xi32, #tpu.memory_space<vmem>>, vector<16xi32>,
    %get3A_337 = arith.constant 240 : index
    %get3A_338 = tpu.vector_load %arg10[%get3A_337] {strides = array<i32>} : memref<512xi32, #tpu.memory_space<vmem>>, vector<16xi32>,
    %and3A_339 = arith.constant 15 : i32
    %and3A_340 = vector.broadcast %and3A_339 : i32 to vector<16xi32>
    %and3A_341 = arith.andi %get3A_336, %and3A_340 : vector<16xi32>
    %gather3A_342 = tpu.vector_load_idx %arg15[%add3A_334, %and3A_341] : memref<128x16xf32, #tpu.memory_space<vmem>>[vector<16xi32>, vector<16xi32>], vector<16xf32>,
    %and3A_343 = arith.constant 15 : i32
    %and3A_344 = vector.broadcast %and3A_343 : i32 to vector<16xi32>
    %and3A_345 = arith.andi %get3A_338, %and3A_344 : vector<16xi32>
    %gather3A_346 = tpu.vector_load_idx %arg16[%add3A_334, %and3A_345] : memref<128x16xf32, #tpu.memory_space<vmem>>[vector<16xi32>, vector<16xi32>], vector<16xf32>,
    %add3A_347 = arith.addf %gather3A_342, %gather3A_346 : vector<16xf32>
    %swap3A_348 = arith.constant 240 : index
    %swap3A_349 = tpu.vector_load %arg17[%swap3A_348] {strides = array<i32>} : memref<512xf32, #tpu.memory_space<vmem>>, vector<16xf32>,
    tpu.vector_store %arg17[%swap3A_348], %add3A_347 {strides = array<i32>} : memref<512xf32, #tpu.memory_space<vmem>>, vector<16xf32>,
    %dma_start3A_350 = arith.constant 256 : i32
    %dma_start3A_351 = tpu.memref_slice %arg11[%dma_start3A_350] : memref<512xi32, #tpu.memory_space<vmem>> -> memref<128xi32, #tpu.memory_space<vmem>>
    %dma_start3A_352 = arith.constant 0 : i32
    %dma_start3A_353 = arith.constant 0 : i32
    %dma_start3A_354 = tpu.memref_slice %arg6[%dma_start3A_352, %dma_start3A_353] : memref<6250x16xf32, #tpu.memory_space<hbm>> -> memref<6250x16xf32, #tpu.memory_space<hbm>>
    tpu.enqueue_indirect_dma source(%dma_start3A_354 : memref<6250x16xf32, #tpu.memory_space<hbm>>) target(%arg15 : memref<128x16xf32, #tpu.memory_space<vmem>>) offsets(%dma_start3A_351 : memref<128xi32, #tpu.memory_space<vmem>>) semaphore(%arg21 : memref<!tpu.dma_semaphore, #tpu.memory_space<semaphore_mem>>)
    %dma_start3A_355 = arith.constant 256 : i32
    %dma_start3A_356 = tpu.memref_slice %arg12[%dma_start3A_355] : memref<512xi32, #tpu.memory_space<vmem>> -> memref<128xi32, #tpu.memory_space<vmem>>
    %dma_start3A_357 = arith.constant 0 : i32
    %dma_start3A_358 = arith.constant 0 : i32
    %dma_start3A_359 = tpu.memref_slice %arg7[%dma_start3A_357, %dma_start3A_358] : memref<6250x16xf32, #tpu.memory_space<hbm>> -> memref<6250x16xf32, #tpu.memory_space<hbm>>
    tpu.enqueue_indirect_dma source(%dma_start3A_359 : memref<6250x16xf32, #tpu.memory_space<hbm>>) target(%arg16 : memref<128x16xf32, #tpu.memory_space<vmem>>) offsets(%dma_start3A_356 : memref<128xi32, #tpu.memory_space<vmem>>) semaphore(%arg22 : memref<!tpu.dma_semaphore, #tpu.memory_space<semaphore_mem>>)
    %dma_wait3A_360 = arith.constant 256 : i32
    %dma_wait3A_361 = tpu.memref_slice %arg11[%dma_wait3A_360] : memref<512xi32, #tpu.memory_space<vmem>> -> memref<128xi32, #tpu.memory_space<vmem>>
    %dma_wait3A_362 = arith.constant 0 : i32
    %dma_wait3A_363 = arith.constant 0 : i32
    %dma_wait3A_364 = tpu.memref_slice %arg6[%dma_wait3A_362, %dma_wait3A_363] : memref<6250x16xf32, #tpu.memory_space<hbm>> -> memref<6250x16xf32, #tpu.memory_space<hbm>>
    tpu.wait_indirect_dma semaphore(%arg21 : memref<!tpu.dma_semaphore, #tpu.memory_space<semaphore_mem>>) src(%dma_wait3A_364 : memref<6250x16xf32, #tpu.memory_space<hbm>>) dst(%arg15 : memref<128x16xf32, #tpu.memory_space<vmem>>)
    %dma_wait3A_365 = arith.constant 256 : i32
    %dma_wait3A_366 = tpu.memref_slice %arg12[%dma_wait3A_365] : memref<512xi32, #tpu.memory_space<vmem>> -> memref<128xi32, #tpu.memory_space<vmem>>
    %dma_wait3A_367 = arith.constant 0 : i32
    %dma_wait3A_368 = arith.constant 0 : i32
    %dma_wait3A_369 = tpu.memref_slice %arg7[%dma_wait3A_367, %dma_wait3A_368] : memref<6250x16xf32, #tpu.memory_space<hbm>> -> memref<6250x16xf32, #tpu.memory_space<hbm>>
    tpu.wait_indirect_dma semaphore(%arg22 : memref<!tpu.dma_semaphore, #tpu.memory_space<semaphore_mem>>) src(%dma_wait3A_369 : memref<6250x16xf32, #tpu.memory_space<hbm>>) dst(%arg16 : memref<128x16xf32, #tpu.memory_space<vmem>>)
    %add3A_370 = arith.constant 0 : i32
    %add3A_371 = vector.broadcast %add3A_370 : i32 to vector<16xi32>
    %add3A_372 = arith.addi %add3A_371, %iota3A : vector<16xi32>
    %get3A_373 = arith.constant 256 : index
    %get3A_374 = tpu.vector_load %arg9[%get3A_373] {strides = array<i32>} : memref<512xi32, #tpu.memory_space<vmem>>, vector<16xi32>,
    %get3A_375 = arith.constant 256 : index
    %get3A_376 = tpu.vector_load %arg10[%get3A_375] {strides = array<i32>} : memref<512xi32, #tpu.memory_space<vmem>>, vector<16xi32>,
    %and3A_377 = arith.constant 15 : i32
    %and3A_378 = vector.broadcast %and3A_377 : i32 to vector<16xi32>
    %and3A_379 = arith.andi %get3A_374, %and3A_378 : vector<16xi32>
    %gather3A_380 = tpu.vector_load_idx %arg15[%add3A_372, %and3A_379] : memref<128x16xf32, #tpu.memory_space<vmem>>[vector<16xi32>, vector<16xi32>], vector<16xf32>,
    %and3A_381 = arith.constant 15 : i32
    %and3A_382 = vector.broadcast %and3A_381 : i32 to vector<16xi32>
    %and3A_383 = arith.andi %get3A_376, %and3A_382 : vector<16xi32>
    %gather3A_384 = tpu.vector_load_idx %arg16[%add3A_372, %and3A_383] : memref<128x16xf32, #tpu.memory_space<vmem>>[vector<16xi32>, vector<16xi32>], vector<16xf32>,
    %add3A_385 = arith.addf %gather3A_380, %gather3A_384 : vector<16xf32>
    %swap3A_386 = arith.constant 256 : index
    %swap3A_387 = tpu.vector_load %arg17[%swap3A_386] {strides = array<i32>} : memref<512xf32, #tpu.memory_space<vmem>>, vector<16xf32>,
    tpu.vector_store %arg17[%swap3A_386], %add3A_385 {strides = array<i32>} : memref<512xf32, #tpu.memory_space<vmem>>, vector<16xf32>,
    %add3A_388 = arith.constant 16 : i32
    %add3A_389 = vector.broadcast %add3A_388 : i32 to vector<16xi32>
    %add3A_390 = arith.addi %add3A_389, %iota3A : vector<16xi32>
    %get3A_391 = arith.constant 272 : index
    %get3A_392 = tpu.vector_load %arg9[%get3A_391] {strides = array<i32>} : memref<512xi32, #tpu.memory_space<vmem>>, vector<16xi32>,
    %get3A_393 = arith.constant 272 : index
    %get3A_394 = tpu.vector_load %arg10[%get3A_393] {strides = array<i32>} : memref<512xi32, #tpu.memory_space<vmem>>, vector<16xi32>,
    %and3A_395 = arith.constant 15 : i32
    %and3A_396 = vector.broadcast %and3A_395 : i32 to vector<16xi32>
    %and3A_397 = arith.andi %get3A_392, %and3A_396 : vector<16xi32>
    %gather3A_398 = tpu.vector_load_idx %arg15[%add3A_390, %and3A_397] : memref<128x16xf32, #tpu.memory_space<vmem>>[vector<16xi32>, vector<16xi32>], vector<16xf32>,
    %and3A_399 = arith.constant 15 : i32
    %and3A_400 = vector.broadcast %and3A_399 : i32 to vector<16xi32>
    %and3A_401 = arith.andi %get3A_394, %and3A_400 : vector<16xi32>
    %gather3A_402 = tpu.vector_load_idx %arg16[%add3A_390, %and3A_401] : memref<128x16xf32, #tpu.memory_space<vmem>>[vector<16xi32>, vector<16xi32>], vector<16xf32>,
    %add3A_403 = arith.addf %gather3A_398, %gather3A_402 : vector<16xf32>
    %swap3A_404 = arith.constant 272 : index
    %swap3A_405 = tpu.vector_load %arg17[%swap3A_404] {strides = array<i32>} : memref<512xf32, #tpu.memory_space<vmem>>, vector<16xf32>,
    tpu.vector_store %arg17[%swap3A_404], %add3A_403 {strides = array<i32>} : memref<512xf32, #tpu.memory_space<vmem>>, vector<16xf32>,
    %add3A_406 = arith.constant 32 : i32
    %add3A_407 = vector.broadcast %add3A_406 : i32 to vector<16xi32>
    %add3A_408 = arith.addi %add3A_407, %iota3A : vector<16xi32>
    %get3A_409 = arith.constant 288 : index
    %get3A_410 = tpu.vector_load %arg9[%get3A_409] {strides = array<i32>} : memref<512xi32, #tpu.memory_space<vmem>>, vector<16xi32>,
    %get3A_411 = arith.constant 288 : index
    %get3A_412 = tpu.vector_load %arg10[%get3A_411] {strides = array<i32>} : memref<512xi32, #tpu.memory_space<vmem>>, vector<16xi32>,
    %and3A_413 = arith.constant 15 : i32
    %and3A_414 = vector.broadcast %and3A_413 : i32 to vector<16xi32>
    %and3A_415 = arith.andi %get3A_410, %and3A_414 : vector<16xi32>
    %gather3A_416 = tpu.vector_load_idx %arg15[%add3A_408, %and3A_415] : memref<128x16xf32, #tpu.memory_space<vmem>>[vector<16xi32>, vector<16xi32>], vector<16xf32>,
    %and3A_417 = arith.constant 15 : i32
    %and3A_418 = vector.broadcast %and3A_417 : i32 to vector<16xi32>
    %and3A_419 = arith.andi %get3A_412, %and3A_418 : vector<16xi32>
    %gather3A_420 = tpu.vector_load_idx %arg16[%add3A_408, %and3A_419] : memref<128x16xf32, #tpu.memory_space<vmem>>[vector<16xi32>, vector<16xi32>], vector<16xf32>,
    %add3A_421 = arith.addf %gather3A_416, %gather3A_420 : vector<16xf32>
    %swap3A_422 = arith.constant 288 : index
    %swap3A_423 = tpu.vector_load %arg17[%swap3A_422] {strides = array<i32>} : memref<512xf32, #tpu.memory_space<vmem>>, vector<16xf32>,
    tpu.vector_store %arg17[%swap3A_422], %add3A_421 {strides = array<i32>} : memref<512xf32, #tpu.memory_space<vmem>>, vector<16xf32>,
    %add3A_424 = arith.constant 48 : i32
    %add3A_425 = vector.broadcast %add3A_424 : i32 to vector<16xi32>
    %add3A_426 = arith.addi %add3A_425, %iota3A : vector<16xi32>
    %get3A_427 = arith.constant 304 : index
    %get3A_428 = tpu.vector_load %arg9[%get3A_427] {strides = array<i32>} : memref<512xi32, #tpu.memory_space<vmem>>, vector<16xi32>,
    %get3A_429 = arith.constant 304 : index
    %get3A_430 = tpu.vector_load %arg10[%get3A_429] {strides = array<i32>} : memref<512xi32, #tpu.memory_space<vmem>>, vector<16xi32>,
    %and3A_431 = arith.constant 15 : i32
    %and3A_432 = vector.broadcast %and3A_431 : i32 to vector<16xi32>
    %and3A_433 = arith.andi %get3A_428, %and3A_432 : vector<16xi32>
    %gather3A_434 = tpu.vector_load_idx %arg15[%add3A_426, %and3A_433] : memref<128x16xf32, #tpu.memory_space<vmem>>[vector<16xi32>, vector<16xi32>], vector<16xf32>,
    %and3A_435 = arith.constant 15 : i32
    %and3A_436 = vector.broadcast %and3A_435 : i32 to vector<16xi32>
    %and3A_437 = arith.andi %get3A_430, %and3A_436 : vector<16xi32>
    %gather3A_438 = tpu.vector_load_idx %arg16[%add3A_426, %and3A_437] : memref<128x16xf32, #tpu.memory_space<vmem>>[vector<16xi32>, vector<16xi32>], vector<16xf32>,
    %add3A_439 = arith.addf %gather3A_434, %gather3A_438 : vector<16xf32>
    %swap3A_440 = arith.constant 304 : index
    %swap3A_441 = tpu.vector_load %arg17[%swap3A_440] {strides = array<i32>} : memref<512xf32, #tpu.memory_space<vmem>>, vector<16xf32>,
    tpu.vector_store %arg17[%swap3A_440], %add3A_439 {strides = array<i32>} : memref<512xf32, #tpu.memory_space<vmem>>, vector<16xf32>,
    %add3A_442 = arith.constant 64 : i32
    %add3A_443 = vector.broadcast %add3A_442 : i32 to vector<16xi32>
    %add3A_444 = arith.addi %add3A_443, %iota3A : vector<16xi32>
    %get3A_445 = arith.constant 320 : index
    %get3A_446 = tpu.vector_load %arg9[%get3A_445] {strides = array<i32>} : memref<512xi32, #tpu.memory_space<vmem>>, vector<16xi32>,
    %get3A_447 = arith.constant 320 : index
    %get3A_448 = tpu.vector_load %arg10[%get3A_447] {strides = array<i32>} : memref<512xi32, #tpu.memory_space<vmem>>, vector<16xi32>,
    %and3A_449 = arith.constant 15 : i32
    %and3A_450 = vector.broadcast %and3A_449 : i32 to vector<16xi32>
    %and3A_451 = arith.andi %get3A_446, %and3A_450 : vector<16xi32>
    %gather3A_452 = tpu.vector_load_idx %arg15[%add3A_444, %and3A_451] : memref<128x16xf32, #tpu.memory_space<vmem>>[vector<16xi32>, vector<16xi32>], vector<16xf32>,
    %and3A_453 = arith.constant 15 : i32
    %and3A_454 = vector.broadcast %and3A_453 : i32 to vector<16xi32>
    %and3A_455 = arith.andi %get3A_448, %and3A_454 : vector<16xi32>
    %gather3A_456 = tpu.vector_load_idx %arg16[%add3A_444, %and3A_455] : memref<128x16xf32, #tpu.memory_space<vmem>>[vector<16xi32>, vector<16xi32>], vector<16xf32>,
    %add3A_457 = arith.addf %gather3A_452, %gather3A_456 : vector<16xf32>
    %swap3A_458 = arith.constant 320 : index
    %swap3A_459 = tpu.vector_load %arg17[%swap3A_458] {strides = array<i32>} : memref<512xf32, #tpu.memory_space<vmem>>, vector<16xf32>,
    tpu.vector_store %arg17[%swap3A_458], %add3A_457 {strides = array<i32>} : memref<512xf32, #tpu.memory_space<vmem>>, vector<16xf32>,
    %add3A_460 = arith.constant 80 : i32
    %add3A_461 = vector.broadcast %add3A_460 : i32 to vector<16xi32>
    %add3A_462 = arith.addi %add3A_461, %iota3A : vector<16xi32>
    %get3A_463 = arith.constant 336 : index
    %get3A_464 = tpu.vector_load %arg9[%get3A_463] {strides = array<i32>} : memref<512xi32, #tpu.memory_space<vmem>>, vector<16xi32>,
    %get3A_465 = arith.constant 336 : index
    %get3A_466 = tpu.vector_load %arg10[%get3A_465] {strides = array<i32>} : memref<512xi32, #tpu.memory_space<vmem>>, vector<16xi32>,
    %and3A_467 = arith.constant 15 : i32
    %and3A_468 = vector.broadcast %and3A_467 : i32 to vector<16xi32>
    %and3A_469 = arith.andi %get3A_464, %and3A_468 : vector<16xi32>
    %gather3A_470 = tpu.vector_load_idx %arg15[%add3A_462, %and3A_469] : memref<128x16xf32, #tpu.memory_space<vmem>>[vector<16xi32>, vector<16xi32>], vector<16xf32>,
    %and3A_471 = arith.constant 15 : i32
    %and3A_472 = vector.broadcast %and3A_471 : i32 to vector<16xi32>
    %and3A_473 = arith.andi %get3A_466, %and3A_472 : vector<16xi32>
    %gather3A_474 = tpu.vector_load_idx %arg16[%add3A_462, %and3A_473] : memref<128x16xf32, #tpu.memory_space<vmem>>[vector<16xi32>, vector<16xi32>], vector<16xf32>,
    %add3A_475 = arith.addf %gather3A_470, %gather3A_474 : vector<16xf32>
    %swap3A_476 = arith.constant 336 : index
    %swap3A_477 = tpu.vector_load %arg17[%swap3A_476] {strides = array<i32>} : memref<512xf32, #tpu.memory_space<vmem>>, vector<16xf32>,
    tpu.vector_store %arg17[%swap3A_476], %add3A_475 {strides = array<i32>} : memref<512xf32, #tpu.memory_space<vmem>>, vector<16xf32>,
    %add3A_478 = arith.constant 96 : i32
    %add3A_479 = vector.broadcast %add3A_478 : i32 to vector<16xi32>
    %add3A_480 = arith.addi %add3A_479, %iota3A : vector<16xi32>
    %get3A_481 = arith.constant 352 : index
    %get3A_482 = tpu.vector_load %arg9[%get3A_481] {strides = array<i32>} : memref<512xi32, #tpu.memory_space<vmem>>, vector<16xi32>,
    %get3A_483 = arith.constant 352 : index
    %get3A_484 = tpu.vector_load %arg10[%get3A_483] {strides = array<i32>} : memref<512xi32, #tpu.memory_space<vmem>>, vector<16xi32>,
    %and3A_485 = arith.constant 15 : i32
    %and3A_486 = vector.broadcast %and3A_485 : i32 to vector<16xi32>
    %and3A_487 = arith.andi %get3A_482, %and3A_486 : vector<16xi32>
    %gather3A_488 = tpu.vector_load_idx %arg15[%add3A_480, %and3A_487] : memref<128x16xf32, #tpu.memory_space<vmem>>[vector<16xi32>, vector<16xi32>], vector<16xf32>,
    %and3A_489 = arith.constant 15 : i32
    %and3A_490 = vector.broadcast %and3A_489 : i32 to vector<16xi32>
    %and3A_491 = arith.andi %get3A_484, %and3A_490 : vector<16xi32>
    %gather3A_492 = tpu.vector_load_idx %arg16[%add3A_480, %and3A_491] : memref<128x16xf32, #tpu.memory_space<vmem>>[vector<16xi32>, vector<16xi32>], vector<16xf32>,
    %add3A_493 = arith.addf %gather3A_488, %gather3A_492 : vector<16xf32>
    %swap3A_494 = arith.constant 352 : index
    %swap3A_495 = tpu.vector_load %arg17[%swap3A_494] {strides = array<i32>} : memref<512xf32, #tpu.memory_space<vmem>>, vector<16xf32>,
    tpu.vector_store %arg17[%swap3A_494], %add3A_493 {strides = array<i32>} : memref<512xf32, #tpu.memory_space<vmem>>, vector<16xf32>,
    %add3A_496 = arith.constant 112 : i32
    %add3A_497 = vector.broadcast %add3A_496 : i32 to vector<16xi32>
    %add3A_498 = arith.addi %add3A_497, %iota3A : vector<16xi32>
    %get3A_499 = arith.constant 368 : index
    %get3A_500 = tpu.vector_load %arg9[%get3A_499] {strides = array<i32>} : memref<512xi32, #tpu.memory_space<vmem>>, vector<16xi32>,
    %get3A_501 = arith.constant 368 : index
    %get3A_502 = tpu.vector_load %arg10[%get3A_501] {strides = array<i32>} : memref<512xi32, #tpu.memory_space<vmem>>, vector<16xi32>,
    %and3A_503 = arith.constant 15 : i32
    %and3A_504 = vector.broadcast %and3A_503 : i32 to vector<16xi32>
    %and3A_505 = arith.andi %get3A_500, %and3A_504 : vector<16xi32>
    %gather3A_506 = tpu.vector_load_idx %arg15[%add3A_498, %and3A_505] : memref<128x16xf32, #tpu.memory_space<vmem>>[vector<16xi32>, vector<16xi32>], vector<16xf32>,
    %and3A_507 = arith.constant 15 : i32
    %and3A_508 = vector.broadcast %and3A_507 : i32 to vector<16xi32>
    %and3A_509 = arith.andi %get3A_502, %and3A_508 : vector<16xi32>
    %gather3A_510 = tpu.vector_load_idx %arg16[%add3A_498, %and3A_509] : memref<128x16xf32, #tpu.memory_space<vmem>>[vector<16xi32>, vector<16xi32>], vector<16xf32>,
    %add3A_511 = arith.addf %gather3A_506, %gather3A_510 : vector<16xf32>
    %swap3A_512 = arith.constant 368 : index
    %swap3A_513 = tpu.vector_load %arg17[%swap3A_512] {strides = array<i32>} : memref<512xf32, #tpu.memory_space<vmem>>, vector<16xf32>,
    tpu.vector_store %arg17[%swap3A_512], %add3A_511 {strides = array<i32>} : memref<512xf32, #tpu.memory_space<vmem>>, vector<16xf32>,
    %dma_start3A_514 = arith.constant 384 : i32
    %dma_start3A_515 = tpu.memref_slice %arg11[%dma_start3A_514] : memref<512xi32, #tpu.memory_space<vmem>> -> memref<128xi32, #tpu.memory_space<vmem>>
    %dma_start3A_516 = arith.constant 0 : i32
    %dma_start3A_517 = arith.constant 0 : i32
    %dma_start3A_518 = tpu.memref_slice %arg6[%dma_start3A_516, %dma_start3A_517] : memref<6250x16xf32, #tpu.memory_space<hbm>> -> memref<6250x16xf32, #tpu.memory_space<hbm>>
    tpu.enqueue_indirect_dma source(%dma_start3A_518 : memref<6250x16xf32, #tpu.memory_space<hbm>>) target(%arg15 : memref<128x16xf32, #tpu.memory_space<vmem>>) offsets(%dma_start3A_515 : memref<128xi32, #tpu.memory_space<vmem>>) semaphore(%arg21 : memref<!tpu.dma_semaphore, #tpu.memory_space<semaphore_mem>>)
    %dma_start3A_519 = arith.constant 384 : i32
    %dma_start3A_520 = tpu.memref_slice %arg12[%dma_start3A_519] : memref<512xi32, #tpu.memory_space<vmem>> -> memref<128xi32, #tpu.memory_space<vmem>>
    %dma_start3A_521 = arith.constant 0 : i32
    %dma_start3A_522 = arith.constant 0 : i32
    %dma_start3A_523 = tpu.memref_slice %arg7[%dma_start3A_521, %dma_start3A_522] : memref<6250x16xf32, #tpu.memory_space<hbm>> -> memref<6250x16xf32, #tpu.memory_space<hbm>>
    tpu.enqueue_indirect_dma source(%dma_start3A_523 : memref<6250x16xf32, #tpu.memory_space<hbm>>) target(%arg16 : memref<128x16xf32, #tpu.memory_space<vmem>>) offsets(%dma_start3A_520 : memref<128xi32, #tpu.memory_space<vmem>>) semaphore(%arg22 : memref<!tpu.dma_semaphore, #tpu.memory_space<semaphore_mem>>)
    %dma_wait3A_524 = arith.constant 384 : i32
    %dma_wait3A_525 = tpu.memref_slice %arg11[%dma_wait3A_524] : memref<512xi32, #tpu.memory_space<vmem>> -> memref<128xi32, #tpu.memory_space<vmem>>
    %dma_wait3A_526 = arith.constant 0 : i32
    %dma_wait3A_527 = arith.constant 0 : i32
    %dma_wait3A_528 = tpu.memref_slice %arg6[%dma_wait3A_526, %dma_wait3A_527] : memref<6250x16xf32, #tpu.memory_space<hbm>> -> memref<6250x16xf32, #tpu.memory_space<hbm>>
    tpu.wait_indirect_dma semaphore(%arg21 : memref<!tpu.dma_semaphore, #tpu.memory_space<semaphore_mem>>) src(%dma_wait3A_528 : memref<6250x16xf32, #tpu.memory_space<hbm>>) dst(%arg15 : memref<128x16xf32, #tpu.memory_space<vmem>>)
    %dma_wait3A_529 = arith.constant 384 : i32
    %dma_wait3A_530 = tpu.memref_slice %arg12[%dma_wait3A_529] : memref<512xi32, #tpu.memory_space<vmem>> -> memref<128xi32, #tpu.memory_space<vmem>>
    %dma_wait3A_531 = arith.constant 0 : i32
    %dma_wait3A_532 = arith.constant 0 : i32
    %dma_wait3A_533 = tpu.memref_slice %arg7[%dma_wait3A_531, %dma_wait3A_532] : memref<6250x16xf32, #tpu.memory_space<hbm>> -> memref<6250x16xf32, #tpu.memory_space<hbm>>
    tpu.wait_indirect_dma semaphore(%arg22 : memref<!tpu.dma_semaphore, #tpu.memory_space<semaphore_mem>>) src(%dma_wait3A_533 : memref<6250x16xf32, #tpu.memory_space<hbm>>) dst(%arg16 : memref<128x16xf32, #tpu.memory_space<vmem>>)
    %add3A_534 = arith.constant 0 : i32
    %add3A_535 = vector.broadcast %add3A_534 : i32 to vector<16xi32>
    %add3A_536 = arith.addi %add3A_535, %iota3A : vector<16xi32>
    %get3A_537 = arith.constant 384 : index
    %get3A_538 = tpu.vector_load %arg9[%get3A_537] {strides = array<i32>} : memref<512xi32, #tpu.memory_space<vmem>>, vector<16xi32>,
    %get3A_539 = arith.constant 384 : index
    %get3A_540 = tpu.vector_load %arg10[%get3A_539] {strides = array<i32>} : memref<512xi32, #tpu.memory_space<vmem>>, vector<16xi32>,
    %and3A_541 = arith.constant 15 : i32
    %and3A_542 = vector.broadcast %and3A_541 : i32 to vector<16xi32>
    %and3A_543 = arith.andi %get3A_538, %and3A_542 : vector<16xi32>
    %gather3A_544 = tpu.vector_load_idx %arg15[%add3A_536, %and3A_543] : memref<128x16xf32, #tpu.memory_space<vmem>>[vector<16xi32>, vector<16xi32>], vector<16xf32>,
    %and3A_545 = arith.constant 15 : i32
    %and3A_546 = vector.broadcast %and3A_545 : i32 to vector<16xi32>
    %and3A_547 = arith.andi %get3A_540, %and3A_546 : vector<16xi32>
    %gather3A_548 = tpu.vector_load_idx %arg16[%add3A_536, %and3A_547] : memref<128x16xf32, #tpu.memory_space<vmem>>[vector<16xi32>, vector<16xi32>], vector<16xf32>,
    %add3A_549 = arith.addf %gather3A_544, %gather3A_548 : vector<16xf32>
    %swap3A_550 = arith.constant 384 : index
    %swap3A_551 = tpu.vector_load %arg17[%swap3A_550] {strides = array<i32>} : memref<512xf32, #tpu.memory_space<vmem>>, vector<16xf32>,
    tpu.vector_store %arg17[%swap3A_550], %add3A_549 {strides = array<i32>} : memref<512xf32, #tpu.memory_space<vmem>>, vector<16xf32>,
    %add3A_552 = arith.constant 16 : i32
    %add3A_553 = vector.broadcast %add3A_552 : i32 to vector<16xi32>
    %add3A_554 = arith.addi %add3A_553, %iota3A : vector<16xi32>
    %get3A_555 = arith.constant 400 : index
    %get3A_556 = tpu.vector_load %arg9[%get3A_555] {strides = array<i32>} : memref<512xi32, #tpu.memory_space<vmem>>, vector<16xi32>,
    %get3A_557 = arith.constant 400 : index
    %get3A_558 = tpu.vector_load %arg10[%get3A_557] {strides = array<i32>} : memref<512xi32, #tpu.memory_space<vmem>>, vector<16xi32>,
    %and3A_559 = arith.constant 15 : i32
    %and3A_560 = vector.broadcast %and3A_559 : i32 to vector<16xi32>
    %and3A_561 = arith.andi %get3A_556, %and3A_560 : vector<16xi32>
    %gather3A_562 = tpu.vector_load_idx %arg15[%add3A_554, %and3A_561] : memref<128x16xf32, #tpu.memory_space<vmem>>[vector<16xi32>, vector<16xi32>], vector<16xf32>,
    %and3A_563 = arith.constant 15 : i32
    %and3A_564 = vector.broadcast %and3A_563 : i32 to vector<16xi32>
    %and3A_565 = arith.andi %get3A_558, %and3A_564 : vector<16xi32>
    %gather3A_566 = tpu.vector_load_idx %arg16[%add3A_554, %and3A_565] : memref<128x16xf32, #tpu.memory_space<vmem>>[vector<16xi32>, vector<16xi32>], vector<16xf32>,
    %add3A_567 = arith.addf %gather3A_562, %gather3A_566 : vector<16xf32>
    %swap3A_568 = arith.constant 400 : index
    %swap3A_569 = tpu.vector_load %arg17[%swap3A_568] {strides = array<i32>} : memref<512xf32, #tpu.memory_space<vmem>>, vector<16xf32>,
    tpu.vector_store %arg17[%swap3A_568], %add3A_567 {strides = array<i32>} : memref<512xf32, #tpu.memory_space<vmem>>, vector<16xf32>,
    %add3A_570 = arith.constant 32 : i32
    %add3A_571 = vector.broadcast %add3A_570 : i32 to vector<16xi32>
    %add3A_572 = arith.addi %add3A_571, %iota3A : vector<16xi32>
    %get3A_573 = arith.constant 416 : index
    %get3A_574 = tpu.vector_load %arg9[%get3A_573] {strides = array<i32>} : memref<512xi32, #tpu.memory_space<vmem>>, vector<16xi32>,
    %get3A_575 = arith.constant 416 : index
    %get3A_576 = tpu.vector_load %arg10[%get3A_575] {strides = array<i32>} : memref<512xi32, #tpu.memory_space<vmem>>, vector<16xi32>,
    %and3A_577 = arith.constant 15 : i32
    %and3A_578 = vector.broadcast %and3A_577 : i32 to vector<16xi32>
    %and3A_579 = arith.andi %get3A_574, %and3A_578 : vector<16xi32>
    %gather3A_580 = tpu.vector_load_idx %arg15[%add3A_572, %and3A_579] : memref<128x16xf32, #tpu.memory_space<vmem>>[vector<16xi32>, vector<16xi32>], vector<16xf32>,
    %and3A_581 = arith.constant 15 : i32
    %and3A_582 = vector.broadcast %and3A_581 : i32 to vector<16xi32>
    %and3A_583 = arith.andi %get3A_576, %and3A_582 : vector<16xi32>
    %gather3A_584 = tpu.vector_load_idx %arg16[%add3A_572, %and3A_583] : memref<128x16xf32, #tpu.memory_space<vmem>>[vector<16xi32>, vector<16xi32>], vector<16xf32>,
    %add3A_585 = arith.addf %gather3A_580, %gather3A_584 : vector<16xf32>
    %swap3A_586 = arith.constant 416 : index
    %swap3A_587 = tpu.vector_load %arg17[%swap3A_586] {strides = array<i32>} : memref<512xf32, #tpu.memory_space<vmem>>, vector<16xf32>,
    tpu.vector_store %arg17[%swap3A_586], %add3A_585 {strides = array<i32>} : memref<512xf32, #tpu.memory_space<vmem>>, vector<16xf32>,
    %add3A_588 = arith.constant 48 : i32
    %add3A_589 = vector.broadcast %add3A_588 : i32 to vector<16xi32>
    %add3A_590 = arith.addi %add3A_589, %iota3A : vector<16xi32>
    %get3A_591 = arith.constant 432 : index
    %get3A_592 = tpu.vector_load %arg9[%get3A_591] {strides = array<i32>} : memref<512xi32, #tpu.memory_space<vmem>>, vector<16xi32>,
    %get3A_593 = arith.constant 432 : index
    %get3A_594 = tpu.vector_load %arg10[%get3A_593] {strides = array<i32>} : memref<512xi32, #tpu.memory_space<vmem>>, vector<16xi32>,
    %and3A_595 = arith.constant 15 : i32
    %and3A_596 = vector.broadcast %and3A_595 : i32 to vector<16xi32>
    %and3A_597 = arith.andi %get3A_592, %and3A_596 : vector<16xi32>
    %gather3A_598 = tpu.vector_load_idx %arg15[%add3A_590, %and3A_597] : memref<128x16xf32, #tpu.memory_space<vmem>>[vector<16xi32>, vector<16xi32>], vector<16xf32>,
    %and3A_599 = arith.constant 15 : i32
    %and3A_600 = vector.broadcast %and3A_599 : i32 to vector<16xi32>
    %and3A_601 = arith.andi %get3A_594, %and3A_600 : vector<16xi32>
    %gather3A_602 = tpu.vector_load_idx %arg16[%add3A_590, %and3A_601] : memref<128x16xf32, #tpu.memory_space<vmem>>[vector<16xi32>, vector<16xi32>], vector<16xf32>,
    %add3A_603 = arith.addf %gather3A_598, %gather3A_602 : vector<16xf32>
    %swap3A_604 = arith.constant 432 : index
    %swap3A_605 = tpu.vector_load %arg17[%swap3A_604] {strides = array<i32>} : memref<512xf32, #tpu.memory_space<vmem>>, vector<16xf32>,
    tpu.vector_store %arg17[%swap3A_604], %add3A_603 {strides = array<i32>} : memref<512xf32, #tpu.memory_space<vmem>>, vector<16xf32>,
    %add3A_606 = arith.constant 64 : i32
    %add3A_607 = vector.broadcast %add3A_606 : i32 to vector<16xi32>
    %add3A_608 = arith.addi %add3A_607, %iota3A : vector<16xi32>
    %get3A_609 = arith.constant 448 : index
    %get3A_610 = tpu.vector_load %arg9[%get3A_609] {strides = array<i32>} : memref<512xi32, #tpu.memory_space<vmem>>, vector<16xi32>,
    %get3A_611 = arith.constant 448 : index
    %get3A_612 = tpu.vector_load %arg10[%get3A_611] {strides = array<i32>} : memref<512xi32, #tpu.memory_space<vmem>>, vector<16xi32>,
    %and3A_613 = arith.constant 15 : i32
    %and3A_614 = vector.broadcast %and3A_613 : i32 to vector<16xi32>
    %and3A_615 = arith.andi %get3A_610, %and3A_614 : vector<16xi32>
    %gather3A_616 = tpu.vector_load_idx %arg15[%add3A_608, %and3A_615] : memref<128x16xf32, #tpu.memory_space<vmem>>[vector<16xi32>, vector<16xi32>], vector<16xf32>,
    %and3A_617 = arith.constant 15 : i32
    %and3A_618 = vector.broadcast %and3A_617 : i32 to vector<16xi32>
    %and3A_619 = arith.andi %get3A_612, %and3A_618 : vector<16xi32>
    %gather3A_620 = tpu.vector_load_idx %arg16[%add3A_608, %and3A_619] : memref<128x16xf32, #tpu.memory_space<vmem>>[vector<16xi32>, vector<16xi32>], vector<16xf32>,
    %add3A_621 = arith.addf %gather3A_616, %gather3A_620 : vector<16xf32>
    %swap3A_622 = arith.constant 448 : index
    %swap3A_623 = tpu.vector_load %arg17[%swap3A_622] {strides = array<i32>} : memref<512xf32, #tpu.memory_space<vmem>>, vector<16xf32>,
    tpu.vector_store %arg17[%swap3A_622], %add3A_621 {strides = array<i32>} : memref<512xf32, #tpu.memory_space<vmem>>, vector<16xf32>,
    %add3A_624 = arith.constant 80 : i32
    %add3A_625 = vector.broadcast %add3A_624 : i32 to vector<16xi32>
    %add3A_626 = arith.addi %add3A_625, %iota3A : vector<16xi32>
    %get3A_627 = arith.constant 464 : index
    %get3A_628 = tpu.vector_load %arg9[%get3A_627] {strides = array<i32>} : memref<512xi32, #tpu.memory_space<vmem>>, vector<16xi32>,
    %get3A_629 = arith.constant 464 : index
    %get3A_630 = tpu.vector_load %arg10[%get3A_629] {strides = array<i32>} : memref<512xi32, #tpu.memory_space<vmem>>, vector<16xi32>,
    %and3A_631 = arith.constant 15 : i32
    %and3A_632 = vector.broadcast %and3A_631 : i32 to vector<16xi32>
    %and3A_633 = arith.andi %get3A_628, %and3A_632 : vector<16xi32>
    %gather3A_634 = tpu.vector_load_idx %arg15[%add3A_626, %and3A_633] : memref<128x16xf32, #tpu.memory_space<vmem>>[vector<16xi32>, vector<16xi32>], vector<16xf32>,
    %and3A_635 = arith.constant 15 : i32
    %and3A_636 = vector.broadcast %and3A_635 : i32 to vector<16xi32>
    %and3A_637 = arith.andi %get3A_630, %and3A_636 : vector<16xi32>
    %gather3A_638 = tpu.vector_load_idx %arg16[%add3A_626, %and3A_637] : memref<128x16xf32, #tpu.memory_space<vmem>>[vector<16xi32>, vector<16xi32>], vector<16xf32>,
    %add3A_639 = arith.addf %gather3A_634, %gather3A_638 : vector<16xf32>
    %swap3A_640 = arith.constant 464 : index
    %swap3A_641 = tpu.vector_load %arg17[%swap3A_640] {strides = array<i32>} : memref<512xf32, #tpu.memory_space<vmem>>, vector<16xf32>,
    tpu.vector_store %arg17[%swap3A_640], %add3A_639 {strides = array<i32>} : memref<512xf32, #tpu.memory_space<vmem>>, vector<16xf32>,
    %add3A_642 = arith.constant 96 : i32
    %add3A_643 = vector.broadcast %add3A_642 : i32 to vector<16xi32>
    %add3A_644 = arith.addi %add3A_643, %iota3A : vector<16xi32>
    %get3A_645 = arith.constant 480 : index
    %get3A_646 = tpu.vector_load %arg9[%get3A_645] {strides = array<i32>} : memref<512xi32, #tpu.memory_space<vmem>>, vector<16xi32>,
    %get3A_647 = arith.constant 480 : index
    %get3A_648 = tpu.vector_load %arg10[%get3A_647] {strides = array<i32>} : memref<512xi32, #tpu.memory_space<vmem>>, vector<16xi32>,
    %and3A_649 = arith.constant 15 : i32
    %and3A_650 = vector.broadcast %and3A_649 : i32 to vector<16xi32>
    %and3A_651 = arith.andi %get3A_646, %and3A_650 : vector<16xi32>
    %gather3A_652 = tpu.vector_load_idx %arg15[%add3A_644, %and3A_651] : memref<128x16xf32, #tpu.memory_space<vmem>>[vector<16xi32>, vector<16xi32>], vector<16xf32>,
    %and3A_653 = arith.constant 15 : i32
    %and3A_654 = vector.broadcast %and3A_653 : i32 to vector<16xi32>
    %and3A_655 = arith.andi %get3A_648, %and3A_654 : vector<16xi32>
    %gather3A_656 = tpu.vector_load_idx %arg16[%add3A_644, %and3A_655] : memref<128x16xf32, #tpu.memory_space<vmem>>[vector<16xi32>, vector<16xi32>], vector<16xf32>,
    %add3A_657 = arith.addf %gather3A_652, %gather3A_656 : vector<16xf32>
    %swap3A_658 = arith.constant 480 : index
    %swap3A_659 = tpu.vector_load %arg17[%swap3A_658] {strides = array<i32>} : memref<512xf32, #tpu.memory_space<vmem>>, vector<16xf32>,
    tpu.vector_store %arg17[%swap3A_658], %add3A_657 {strides = array<i32>} : memref<512xf32, #tpu.memory_space<vmem>>, vector<16xf32>,
    %add3A_660 = arith.constant 112 : i32
    %add3A_661 = vector.broadcast %add3A_660 : i32 to vector<16xi32>
    %add3A_662 = arith.addi %add3A_661, %iota3A : vector<16xi32>
    %get3A_663 = arith.constant 496 : index
    %get3A_664 = tpu.vector_load %arg9[%get3A_663] {strides = array<i32>} : memref<512xi32, #tpu.memory_space<vmem>>, vector<16xi32>,
    %get3A_665 = arith.constant 496 : index
    %get3A_666 = tpu.vector_load %arg10[%get3A_665] {strides = array<i32>} : memref<512xi32, #tpu.memory_space<vmem>>, vector<16xi32>,
    %and3A_667 = arith.constant 15 : i32
    %and3A_668 = vector.broadcast %and3A_667 : i32 to vector<16xi32>
    %and3A_669 = arith.andi %get3A_664, %and3A_668 : vector<16xi32>
    %gather3A_670 = tpu.vector_load_idx %arg15[%add3A_662, %and3A_669] : memref<128x16xf32, #tpu.memory_space<vmem>>[vector<16xi32>, vector<16xi32>], vector<16xf32>,
    %and3A_671 = arith.constant 15 : i32
    %and3A_672 = vector.broadcast %and3A_671 : i32 to vector<16xi32>
    %and3A_673 = arith.andi %get3A_666, %and3A_672 : vector<16xi32>
    %gather3A_674 = tpu.vector_load_idx %arg16[%add3A_662, %and3A_673] : memref<128x16xf32, #tpu.memory_space<vmem>>[vector<16xi32>, vector<16xi32>], vector<16xf32>,
    %add3A_675 = arith.addf %gather3A_670, %gather3A_674 : vector<16xf32>
    %swap3A_676 = arith.constant 496 : index
    %swap3A_677 = tpu.vector_load %arg17[%swap3A_676] {strides = array<i32>} : memref<512xf32, #tpu.memory_space<vmem>>, vector<16xf32>,
    tpu.vector_store %arg17[%swap3A_676], %add3A_675 {strides = array<i32>} : memref<512xf32, #tpu.memory_space<vmem>>, vector<16xf32>,
    %dma_wait3A_678 = arith.constant 0 : i32
    %dma_wait3A_679 = arith.constant 0 : i32
    %dma_wait3A_680 = tpu.memref_slice %arg4[%dma_wait3A_678, %dma_wait3A_679] : memref<100000x64xf32, #tpu.memory_space<hbm>> -> memref<100000x64xf32, #tpu.memory_space<hbm>>
    tpu.wait_indirect_dma semaphore(%arg19 : memref<!tpu.dma_semaphore, #tpu.memory_space<semaphore_mem>>) src(%dma_wait3A_680 : memref<100000x64xf32, #tpu.memory_space<hbm>>) dst(%arg13 : memref<512x64xf32, #tpu.memory_space<vmem>>)
    %dma_wait3A_681 = arith.constant 0 : i32
    %dma_wait3A_682 = arith.constant 0 : i32
    %dma_wait3A_683 = tpu.memref_slice %arg5[%dma_wait3A_681, %dma_wait3A_682] : memref<100000x64xf32, #tpu.memory_space<hbm>> -> memref<100000x64xf32, #tpu.memory_space<hbm>>
    tpu.wait_indirect_dma semaphore(%arg20 : memref<!tpu.dma_semaphore, #tpu.memory_space<semaphore_mem>>) src(%dma_wait3A_683 : memref<100000x64xf32, #tpu.memory_space<hbm>>) dst(%arg14 : memref<512x64xf32, #tpu.memory_space<vmem>>)
    %scan3A_684 = arith.constant 0 : i32
    %scan3A_685 = arith.constant 0 : i32
    %scan3A_686 = arith.constant 32 : i32
    %scan3A_687 = arith.addi %scan3A_685, %scan3A_686 : i32
    %scan3A_688 = arith.constant 1 : i32
    scf.for %scan3A_690 = %scan3A_685 to %scan3A_687 step %scan3A_688  : i32 {
      %mul3A_691 = arith.constant 16 : i32
      %mul3A_692 = arith.muli %scan3A_690, %mul3A_691 : i32
      %get3A_693 = arith.index_cast %mul3A_692 : i32 to index
      %get3A_694 = tpu.vector_load %arg17[%get3A_693] {strides = array<i32>} : memref<512xf32, #tpu.memory_space<vmem>>, vector<16xf32>,
      %add3A_695 = arith.constant 0 : i32
      %add3A_696 = arith.addi %mul3A_692, %add3A_695 : i32
      %get3A_697 = arith.index_cast %add3A_696 : i32 to index
      %get3A_698 = arith.constant 0 : index
      %get3A_699 = tpu.vector_load %arg13[%get3A_697, %get3A_698] {strides = array<i32>} : memref<512x64xf32, #tpu.memory_space<vmem>>, vector<16xf32>,
      %get3A_700 = arith.index_cast %add3A_696 : i32 to index
      %get3A_701 = arith.constant 0 : index
      %get3A_702 = tpu.vector_load %arg14[%get3A_700, %get3A_701] {strides = array<i32>} : memref<512x64xf32, #tpu.memory_space<vmem>>, vector<16xf32>,
      %mul3A_703 = arith.mulf %get3A_699, %get3A_702 : vector<16xf32>
      %get3A_704 = arith.index_cast %add3A_696 : i32 to index
      %get3A_705 = arith.constant 16 : index
      %get3A_706 = tpu.vector_load %arg13[%get3A_704, %get3A_705] {strides = array<i32>} : memref<512x64xf32, #tpu.memory_space<vmem>>, vector<16xf32>,
      %get3A_707 = arith.index_cast %add3A_696 : i32 to index
      %get3A_708 = arith.constant 16 : index
      %get3A_709 = tpu.vector_load %arg14[%get3A_707, %get3A_708] {strides = array<i32>} : memref<512x64xf32, #tpu.memory_space<vmem>>, vector<16xf32>,
      %mul3A_710 = arith.mulf %get3A_706, %get3A_709 : vector<16xf32>
      %add3A_711 = arith.addf %mul3A_703, %mul3A_710 : vector<16xf32>
      %get3A_712 = arith.index_cast %add3A_696 : i32 to index
      %get3A_713 = arith.constant 32 : index
      %get3A_714 = tpu.vector_load %arg13[%get3A_712, %get3A_713] {strides = array<i32>} : memref<512x64xf32, #tpu.memory_space<vmem>>, vector<16xf32>,
      %get3A_715 = arith.index_cast %add3A_696 : i32 to index
      %get3A_716 = arith.constant 32 : index
      %get3A_717 = tpu.vector_load %arg14[%get3A_715, %get3A_716] {strides = array<i32>} : memref<512x64xf32, #tpu.memory_space<vmem>>, vector<16xf32>,
      %mul3A_718 = arith.mulf %get3A_714, %get3A_717 : vector<16xf32>
      %add3A_719 = arith.addf %add3A_711, %mul3A_718 : vector<16xf32>
      %get3A_720 = arith.index_cast %add3A_696 : i32 to index
      %get3A_721 = arith.constant 48 : index
      %get3A_722 = tpu.vector_load %arg13[%get3A_720, %get3A_721] {strides = array<i32>} : memref<512x64xf32, #tpu.memory_space<vmem>>, vector<16xf32>,
      %get3A_723 = arith.index_cast %add3A_696 : i32 to index
      %get3A_724 = arith.constant 48 : index
      %get3A_725 = tpu.vector_load %arg14[%get3A_723, %get3A_724] {strides = array<i32>} : memref<512x64xf32, #tpu.memory_space<vmem>>, vector<16xf32>,
      %mul3A_726 = arith.mulf %get3A_722, %get3A_725 : vector<16xf32>
      %add3A_727 = arith.addf %add3A_719, %mul3A_726 : vector<16xf32>
      %eq3A = arith.constant 0 : i32
      %eq3A_728 = vector.broadcast %eq3A : i32 to vector<16xi32>
      %eq3A_729 = arith.cmpi eq, %iota3A, %eq3A_728 : vector<16xi32>
      %gather3A_730 = vector.shape_cast %reshape3A : vector<16x1xi32> to vector<16xi32>
      %gather3A_731 = tpu.dynamic_gather %add3A_727[%gather3A_730] in [0] : vector<16xf32>, vector<16xi32> -> vector<16xf32>
      %add3A_732 = arith.addf %add3A_727, %gather3A_731 : vector<16xf32>
      %gather3A_733 = vector.shape_cast %reshape3A_18 : vector<16x1xi32> to vector<16xi32>
      %gather3A_734 = tpu.dynamic_gather %add3A_732[%gather3A_733] in [0] : vector<16xf32>, vector<16xi32> -> vector<16xf32>
      %add3A_735 = arith.addf %add3A_732, %gather3A_734 : vector<16xf32>
      %gather3A_736 = vector.shape_cast %reshape3A_22 : vector<16x1xi32> to vector<16xi32>
      %gather3A_737 = tpu.dynamic_gather %add3A_735[%gather3A_736] in [0] : vector<16xf32>, vector<16xi32> -> vector<16xf32>
      %add3A_738 = arith.addf %add3A_735, %gather3A_737 : vector<16xf32>
      %gather3A_739 = vector.shape_cast %reshape3A_26 : vector<16x1xi32> to vector<16xi32>
      %gather3A_740 = tpu.dynamic_gather %add3A_738[%gather3A_739] in [0] : vector<16xf32>, vector<16xi32> -> vector<16xf32>
      %add3A_741 = arith.addf %add3A_738, %gather3A_740 : vector<16xf32>
      %add3A_742 = arith.addf %add3A_741, %get3A_694 : vector<16xf32>
      %select_n3A = arith.select %eq3A_729, %add3A_742, %get3A_694 : vector<16xi1>, vector<16xf32>
      %add3A_743 = arith.constant 1 : i32
      %add3A_744 = arith.addi %mul3A_692, %add3A_743 : i32
      %get3A_745 = arith.index_cast %add3A_744 : i32 to index
      %get3A_746 = arith.constant 0 : index
      %get3A_747 = tpu.vector_load %arg13[%get3A_745, %get3A_746] {strides = array<i32>} : memref<512x64xf32, #tpu.memory_space<vmem>>, vector<16xf32>,
      %get3A_748 = arith.index_cast %add3A_744 : i32 to index
      %get3A_749 = arith.constant 0 : index
      %get3A_750 = tpu.vector_load %arg14[%get3A_748, %get3A_749] {strides = array<i32>} : memref<512x64xf32, #tpu.memory_space<vmem>>, vector<16xf32>,
      %mul3A_751 = arith.mulf %get3A_747, %get3A_750 : vector<16xf32>
      %get3A_752 = arith.index_cast %add3A_744 : i32 to index
      %get3A_753 = arith.constant 16 : index
      %get3A_754 = tpu.vector_load %arg13[%get3A_752, %get3A_753] {strides = array<i32>} : memref<512x64xf32, #tpu.memory_space<vmem>>, vector<16xf32>,
      %get3A_755 = arith.index_cast %add3A_744 : i32 to index
      %get3A_756 = arith.constant 16 : index
      %get3A_757 = tpu.vector_load %arg14[%get3A_755, %get3A_756] {strides = array<i32>} : memref<512x64xf32, #tpu.memory_space<vmem>>, vector<16xf32>,
      %mul3A_758 = arith.mulf %get3A_754, %get3A_757 : vector<16xf32>
      %add3A_759 = arith.addf %mul3A_751, %mul3A_758 : vector<16xf32>
      %get3A_760 = arith.index_cast %add3A_744 : i32 to index
      %get3A_761 = arith.constant 32 : index
      %get3A_762 = tpu.vector_load %arg13[%get3A_760, %get3A_761] {strides = array<i32>} : memref<512x64xf32, #tpu.memory_space<vmem>>, vector<16xf32>,
      %get3A_763 = arith.index_cast %add3A_744 : i32 to index
      %get3A_764 = arith.constant 32 : index
      %get3A_765 = tpu.vector_load %arg14[%get3A_763, %get3A_764] {strides = array<i32>} : memref<512x64xf32, #tpu.memory_space<vmem>>, vector<16xf32>,
      %mul3A_766 = arith.mulf %get3A_762, %get3A_765 : vector<16xf32>
      %add3A_767 = arith.addf %add3A_759, %mul3A_766 : vector<16xf32>
      %get3A_768 = arith.index_cast %add3A_744 : i32 to index
      %get3A_769 = arith.constant 48 : index
      %get3A_770 = tpu.vector_load %arg13[%get3A_768, %get3A_769] {strides = array<i32>} : memref<512x64xf32, #tpu.memory_space<vmem>>, vector<16xf32>,
      %get3A_771 = arith.index_cast %add3A_744 : i32 to index
      %get3A_772 = arith.constant 48 : index
      %get3A_773 = tpu.vector_load %arg14[%get3A_771, %get3A_772] {strides = array<i32>} : memref<512x64xf32, #tpu.memory_space<vmem>>, vector<16xf32>,
      %mul3A_774 = arith.mulf %get3A_770, %get3A_773 : vector<16xf32>
      %add3A_775 = arith.addf %add3A_767, %mul3A_774 : vector<16xf32>
      %eq3A_776 = arith.constant 1 : i32
      %eq3A_777 = vector.broadcast %eq3A_776 : i32 to vector<16xi32>
      %eq3A_778 = arith.cmpi eq, %iota3A, %eq3A_777 : vector<16xi32>
      %gather3A_779 = vector.shape_cast %reshape3A : vector<16x1xi32> to vector<16xi32>
      %gather3A_780 = tpu.dynamic_gather %add3A_775[%gather3A_779] in [0] : vector<16xf32>, vector<16xi32> -> vector<16xf32>
      %add3A_781 = arith.addf %add3A_775, %gather3A_780 : vector<16xf32>
      %gather3A_782 = vector.shape_cast %reshape3A_18 : vector<16x1xi32> to vector<16xi32>
      %gather3A_783 = tpu.dynamic_gather %add3A_781[%gather3A_782] in [0] : vector<16xf32>, vector<16xi32> -> vector<16xf32>
      %add3A_784 = arith.addf %add3A_781, %gather3A_783 : vector<16xf32>
      %gather3A_785 = vector.shape_cast %reshape3A_22 : vector<16x1xi32> to vector<16xi32>
      %gather3A_786 = tpu.dynamic_gather %add3A_784[%gather3A_785] in [0] : vector<16xf32>, vector<16xi32> -> vector<16xf32>
      %add3A_787 = arith.addf %add3A_784, %gather3A_786 : vector<16xf32>
      %gather3A_788 = vector.shape_cast %reshape3A_26 : vector<16x1xi32> to vector<16xi32>
      %gather3A_789 = tpu.dynamic_gather %add3A_787[%gather3A_788] in [0] : vector<16xf32>, vector<16xi32> -> vector<16xf32>
      %add3A_790 = arith.addf %add3A_787, %gather3A_789 : vector<16xf32>
      %add3A_791 = arith.addf %add3A_790, %select_n3A : vector<16xf32>
      %select_n3A_792 = arith.select %eq3A_778, %add3A_791, %select_n3A : vector<16xi1>, vector<16xf32>
      %add3A_793 = arith.constant 2 : i32
      %add3A_794 = arith.addi %mul3A_692, %add3A_793 : i32
      %get3A_795 = arith.index_cast %add3A_794 : i32 to index
      %get3A_796 = arith.constant 0 : index
      %get3A_797 = tpu.vector_load %arg13[%get3A_795, %get3A_796] {strides = array<i32>} : memref<512x64xf32, #tpu.memory_space<vmem>>, vector<16xf32>,
      %get3A_798 = arith.index_cast %add3A_794 : i32 to index
      %get3A_799 = arith.constant 0 : index
      %get3A_800 = tpu.vector_load %arg14[%get3A_798, %get3A_799] {strides = array<i32>} : memref<512x64xf32, #tpu.memory_space<vmem>>, vector<16xf32>,
      %mul3A_801 = arith.mulf %get3A_797, %get3A_800 : vector<16xf32>
      %get3A_802 = arith.index_cast %add3A_794 : i32 to index
      %get3A_803 = arith.constant 16 : index
      %get3A_804 = tpu.vector_load %arg13[%get3A_802, %get3A_803] {strides = array<i32>} : memref<512x64xf32, #tpu.memory_space<vmem>>, vector<16xf32>,
      %get3A_805 = arith.index_cast %add3A_794 : i32 to index
      %get3A_806 = arith.constant 16 : index
      %get3A_807 = tpu.vector_load %arg14[%get3A_805, %get3A_806] {strides = array<i32>} : memref<512x64xf32, #tpu.memory_space<vmem>>, vector<16xf32>,
      %mul3A_808 = arith.mulf %get3A_804, %get3A_807 : vector<16xf32>
      %add3A_809 = arith.addf %mul3A_801, %mul3A_808 : vector<16xf32>
      %get3A_810 = arith.index_cast %add3A_794 : i32 to index
      %get3A_811 = arith.constant 32 : index
      %get3A_812 = tpu.vector_load %arg13[%get3A_810, %get3A_811] {strides = array<i32>} : memref<512x64xf32, #tpu.memory_space<vmem>>, vector<16xf32>,
      %get3A_813 = arith.index_cast %add3A_794 : i32 to index
      %get3A_814 = arith.constant 32 : index
      %get3A_815 = tpu.vector_load %arg14[%get3A_813, %get3A_814] {strides = array<i32>} : memref<512x64xf32, #tpu.memory_space<vmem>>, vector<16xf32>,
      %mul3A_816 = arith.mulf %get3A_812, %get3A_815 : vector<16xf32>
      %add3A_817 = arith.addf %add3A_809, %mul3A_816 : vector<16xf32>
      %get3A_818 = arith.index_cast %add3A_794 : i32 to index
      %get3A_819 = arith.constant 48 : index
      %get3A_820 = tpu.vector_load %arg13[%get3A_818, %get3A_819] {strides = array<i32>} : memref<512x64xf32, #tpu.memory_space<vmem>>, vector<16xf32>,
      %get3A_821 = arith.index_cast %add3A_794 : i32 to index
      %get3A_822 = arith.constant 48 : index
      %get3A_823 = tpu.vector_load %arg14[%get3A_821, %get3A_822] {strides = array<i32>} : memref<512x64xf32, #tpu.memory_space<vmem>>, vector<16xf32>,
      %mul3A_824 = arith.mulf %get3A_820, %get3A_823 : vector<16xf32>
      %add3A_825 = arith.addf %add3A_817, %mul3A_824 : vector<16xf32>
      %eq3A_826 = arith.constant 2 : i32
      %eq3A_827 = vector.broadcast %eq3A_826 : i32 to vector<16xi32>
      %eq3A_828 = arith.cmpi eq, %iota3A, %eq3A_827 : vector<16xi32>
      %gather3A_829 = vector.shape_cast %reshape3A : vector<16x1xi32> to vector<16xi32>
      %gather3A_830 = tpu.dynamic_gather %add3A_825[%gather3A_829] in [0] : vector<16xf32>, vector<16xi32> -> vector<16xf32>
      %add3A_831 = arith.addf %add3A_825, %gather3A_830 : vector<16xf32>
      %gather3A_832 = vector.shape_cast %reshape3A_18 : vector<16x1xi32> to vector<16xi32>
      %gather3A_833 = tpu.dynamic_gather %add3A_831[%gather3A_832] in [0] : vector<16xf32>, vector<16xi32> -> vector<16xf32>
      %add3A_834 = arith.addf %add3A_831, %gather3A_833 : vector<16xf32>
      %gather3A_835 = vector.shape_cast %reshape3A_22 : vector<16x1xi32> to vector<16xi32>
      %gather3A_836 = tpu.dynamic_gather %add3A_834[%gather3A_835] in [0] : vector<16xf32>, vector<16xi32> -> vector<16xf32>
      %add3A_837 = arith.addf %add3A_834, %gather3A_836 : vector<16xf32>
      %gather3A_838 = vector.shape_cast %reshape3A_26 : vector<16x1xi32> to vector<16xi32>
      %gather3A_839 = tpu.dynamic_gather %add3A_837[%gather3A_838] in [0] : vector<16xf32>, vector<16xi32> -> vector<16xf32>
      %add3A_840 = arith.addf %add3A_837, %gather3A_839 : vector<16xf32>
      %add3A_841 = arith.addf %add3A_840, %select_n3A_792 : vector<16xf32>
      %select_n3A_842 = arith.select %eq3A_828, %add3A_841, %select_n3A_792 : vector<16xi1>, vector<16xf32>
      %add3A_843 = arith.constant 3 : i32
      %add3A_844 = arith.addi %mul3A_692, %add3A_843 : i32
      %get3A_845 = arith.index_cast %add3A_844 : i32 to index
      %get3A_846 = arith.constant 0 : index
      %get3A_847 = tpu.vector_load %arg13[%get3A_845, %get3A_846] {strides = array<i32>} : memref<512x64xf32, #tpu.memory_space<vmem>>, vector<16xf32>,
      %get3A_848 = arith.index_cast %add3A_844 : i32 to index
      %get3A_849 = arith.constant 0 : index
      %get3A_850 = tpu.vector_load %arg14[%get3A_848, %get3A_849] {strides = array<i32>} : memref<512x64xf32, #tpu.memory_space<vmem>>, vector<16xf32>,
      %mul3A_851 = arith.mulf %get3A_847, %get3A_850 : vector<16xf32>
      %get3A_852 = arith.index_cast %add3A_844 : i32 to index
      %get3A_853 = arith.constant 16 : index
      %get3A_854 = tpu.vector_load %arg13[%get3A_852, %get3A_853] {strides = array<i32>} : memref<512x64xf32, #tpu.memory_space<vmem>>, vector<16xf32>,
      %get3A_855 = arith.index_cast %add3A_844 : i32 to index
      %get3A_856 = arith.constant 16 : index
      %get3A_857 = tpu.vector_load %arg14[%get3A_855, %get3A_856] {strides = array<i32>} : memref<512x64xf32, #tpu.memory_space<vmem>>, vector<16xf32>,
      %mul3A_858 = arith.mulf %get3A_854, %get3A_857 : vector<16xf32>
      %add3A_859 = arith.addf %mul3A_851, %mul3A_858 : vector<16xf32>
      %get3A_860 = arith.index_cast %add3A_844 : i32 to index
      %get3A_861 = arith.constant 32 : index
      %get3A_862 = tpu.vector_load %arg13[%get3A_860, %get3A_861] {strides = array<i32>} : memref<512x64xf32, #tpu.memory_space<vmem>>, vector<16xf32>,
      %get3A_863 = arith.index_cast %add3A_844 : i32 to index
      %get3A_864 = arith.constant 32 : index
      %get3A_865 = tpu.vector_load %arg14[%get3A_863, %get3A_864] {strides = array<i32>} : memref<512x64xf32, #tpu.memory_space<vmem>>, vector<16xf32>,
      %mul3A_866 = arith.mulf %get3A_862, %get3A_865 : vector<16xf32>
      %add3A_867 = arith.addf %add3A_859, %mul3A_866 : vector<16xf32>
      %get3A_868 = arith.index_cast %add3A_844 : i32 to index
      %get3A_869 = arith.constant 48 : index
      %get3A_870 = tpu.vector_load %arg13[%get3A_868, %get3A_869] {strides = array<i32>} : memref<512x64xf32, #tpu.memory_space<vmem>>, vector<16xf32>,
      %get3A_871 = arith.index_cast %add3A_844 : i32 to index
      %get3A_872 = arith.constant 48 : index
      %get3A_873 = tpu.vector_load %arg14[%get3A_871, %get3A_872] {strides = array<i32>} : memref<512x64xf32, #tpu.memory_space<vmem>>, vector<16xf32>,
      %mul3A_874 = arith.mulf %get3A_870, %get3A_873 : vector<16xf32>
      %add3A_875 = arith.addf %add3A_867, %mul3A_874 : vector<16xf32>
      %eq3A_876 = arith.constant 3 : i32
      %eq3A_877 = vector.broadcast %eq3A_876 : i32 to vector<16xi32>
      %eq3A_878 = arith.cmpi eq, %iota3A, %eq3A_877 : vector<16xi32>
      %gather3A_879 = vector.shape_cast %reshape3A : vector<16x1xi32> to vector<16xi32>
      %gather3A_880 = tpu.dynamic_gather %add3A_875[%gather3A_879] in [0] : vector<16xf32>, vector<16xi32> -> vector<16xf32>
      %add3A_881 = arith.addf %add3A_875, %gather3A_880 : vector<16xf32>
      %gather3A_882 = vector.shape_cast %reshape3A_18 : vector<16x1xi32> to vector<16xi32>
      %gather3A_883 = tpu.dynamic_gather %add3A_881[%gather3A_882] in [0] : vector<16xf32>, vector<16xi32> -> vector<16xf32>
      %add3A_884 = arith.addf %add3A_881, %gather3A_883 : vector<16xf32>
      %gather3A_885 = vector.shape_cast %reshape3A_22 : vector<16x1xi32> to vector<16xi32>
      %gather3A_886 = tpu.dynamic_gather %add3A_884[%gather3A_885] in [0] : vector<16xf32>, vector<16xi32> -> vector<16xf32>
      %add3A_887 = arith.addf %add3A_884, %gather3A_886 : vector<16xf32>
      %gather3A_888 = vector.shape_cast %reshape3A_26 : vector<16x1xi32> to vector<16xi32>
      %gather3A_889 = tpu.dynamic_gather %add3A_887[%gather3A_888] in [0] : vector<16xf32>, vector<16xi32> -> vector<16xf32>
      %add3A_890 = arith.addf %add3A_887, %gather3A_889 : vector<16xf32>
      %add3A_891 = arith.addf %add3A_890, %select_n3A_842 : vector<16xf32>
      %select_n3A_892 = arith.select %eq3A_878, %add3A_891, %select_n3A_842 : vector<16xi1>, vector<16xf32>
      %add3A_893 = arith.constant 4 : i32
      %add3A_894 = arith.addi %mul3A_692, %add3A_893 : i32
      %get3A_895 = arith.index_cast %add3A_894 : i32 to index
      %get3A_896 = arith.constant 0 : index
      %get3A_897 = tpu.vector_load %arg13[%get3A_895, %get3A_896] {strides = array<i32>} : memref<512x64xf32, #tpu.memory_space<vmem>>, vector<16xf32>,
      %get3A_898 = arith.index_cast %add3A_894 : i32 to index
      %get3A_899 = arith.constant 0 : index
      %get3A_900 = tpu.vector_load %arg14[%get3A_898, %get3A_899] {strides = array<i32>} : memref<512x64xf32, #tpu.memory_space<vmem>>, vector<16xf32>,
      %mul3A_901 = arith.mulf %get3A_897, %get3A_900 : vector<16xf32>
      %get3A_902 = arith.index_cast %add3A_894 : i32 to index
      %get3A_903 = arith.constant 16 : index
      %get3A_904 = tpu.vector_load %arg13[%get3A_902, %get3A_903] {strides = array<i32>} : memref<512x64xf32, #tpu.memory_space<vmem>>, vector<16xf32>,
      %get3A_905 = arith.index_cast %add3A_894 : i32 to index
      %get3A_906 = arith.constant 16 : index
      %get3A_907 = tpu.vector_load %arg14[%get3A_905, %get3A_906] {strides = array<i32>} : memref<512x64xf32, #tpu.memory_space<vmem>>, vector<16xf32>,
      %mul3A_908 = arith.mulf %get3A_904, %get3A_907 : vector<16xf32>
      %add3A_909 = arith.addf %mul3A_901, %mul3A_908 : vector<16xf32>
      %get3A_910 = arith.index_cast %add3A_894 : i32 to index
      %get3A_911 = arith.constant 32 : index
      %get3A_912 = tpu.vector_load %arg13[%get3A_910, %get3A_911] {strides = array<i32>} : memref<512x64xf32, #tpu.memory_space<vmem>>, vector<16xf32>,
      %get3A_913 = arith.index_cast %add3A_894 : i32 to index
      %get3A_914 = arith.constant 32 : index
      %get3A_915 = tpu.vector_load %arg14[%get3A_913, %get3A_914] {strides = array<i32>} : memref<512x64xf32, #tpu.memory_space<vmem>>, vector<16xf32>,
      %mul3A_916 = arith.mulf %get3A_912, %get3A_915 : vector<16xf32>
      %add3A_917 = arith.addf %add3A_909, %mul3A_916 : vector<16xf32>
      %get3A_918 = arith.index_cast %add3A_894 : i32 to index
      %get3A_919 = arith.constant 48 : index
      %get3A_920 = tpu.vector_load %arg13[%get3A_918, %get3A_919] {strides = array<i32>} : memref<512x64xf32, #tpu.memory_space<vmem>>, vector<16xf32>,
      %get3A_921 = arith.index_cast %add3A_894 : i32 to index
      %get3A_922 = arith.constant 48 : index
      %get3A_923 = tpu.vector_load %arg14[%get3A_921, %get3A_922] {strides = array<i32>} : memref<512x64xf32, #tpu.memory_space<vmem>>, vector<16xf32>,
      %mul3A_924 = arith.mulf %get3A_920, %get3A_923 : vector<16xf32>
      %add3A_925 = arith.addf %add3A_917, %mul3A_924 : vector<16xf32>
      %eq3A_926 = arith.constant 4 : i32
      %eq3A_927 = vector.broadcast %eq3A_926 : i32 to vector<16xi32>
      %eq3A_928 = arith.cmpi eq, %iota3A, %eq3A_927 : vector<16xi32>
      %gather3A_929 = vector.shape_cast %reshape3A : vector<16x1xi32> to vector<16xi32>
      %gather3A_930 = tpu.dynamic_gather %add3A_925[%gather3A_929] in [0] : vector<16xf32>, vector<16xi32> -> vector<16xf32>
      %add3A_931 = arith.addf %add3A_925, %gather3A_930 : vector<16xf32>
      %gather3A_932 = vector.shape_cast %reshape3A_18 : vector<16x1xi32> to vector<16xi32>
      %gather3A_933 = tpu.dynamic_gather %add3A_931[%gather3A_932] in [0] : vector<16xf32>, vector<16xi32> -> vector<16xf32>
      %add3A_934 = arith.addf %add3A_931, %gather3A_933 : vector<16xf32>
      %gather3A_935 = vector.shape_cast %reshape3A_22 : vector<16x1xi32> to vector<16xi32>
      %gather3A_936 = tpu.dynamic_gather %add3A_934[%gather3A_935] in [0] : vector<16xf32>, vector<16xi32> -> vector<16xf32>
      %add3A_937 = arith.addf %add3A_934, %gather3A_936 : vector<16xf32>
      %gather3A_938 = vector.shape_cast %reshape3A_26 : vector<16x1xi32> to vector<16xi32>
      %gather3A_939 = tpu.dynamic_gather %add3A_937[%gather3A_938] in [0] : vector<16xf32>, vector<16xi32> -> vector<16xf32>
      %add3A_940 = arith.addf %add3A_937, %gather3A_939 : vector<16xf32>
      %add3A_941 = arith.addf %add3A_940, %select_n3A_892 : vector<16xf32>
      %select_n3A_942 = arith.select %eq3A_928, %add3A_941, %select_n3A_892 : vector<16xi1>, vector<16xf32>
      %add3A_943 = arith.constant 5 : i32
      %add3A_944 = arith.addi %mul3A_692, %add3A_943 : i32
      %get3A_945 = arith.index_cast %add3A_944 : i32 to index
      %get3A_946 = arith.constant 0 : index
      %get3A_947 = tpu.vector_load %arg13[%get3A_945, %get3A_946] {strides = array<i32>} : memref<512x64xf32, #tpu.memory_space<vmem>>, vector<16xf32>,
      %get3A_948 = arith.index_cast %add3A_944 : i32 to index
      %get3A_949 = arith.constant 0 : index
      %get3A_950 = tpu.vector_load %arg14[%get3A_948, %get3A_949] {strides = array<i32>} : memref<512x64xf32, #tpu.memory_space<vmem>>, vector<16xf32>,
      %mul3A_951 = arith.mulf %get3A_947, %get3A_950 : vector<16xf32>
      %get3A_952 = arith.index_cast %add3A_944 : i32 to index
      %get3A_953 = arith.constant 16 : index
      %get3A_954 = tpu.vector_load %arg13[%get3A_952, %get3A_953] {strides = array<i32>} : memref<512x64xf32, #tpu.memory_space<vmem>>, vector<16xf32>,
      %get3A_955 = arith.index_cast %add3A_944 : i32 to index
      %get3A_956 = arith.constant 16 : index
      %get3A_957 = tpu.vector_load %arg14[%get3A_955, %get3A_956] {strides = array<i32>} : memref<512x64xf32, #tpu.memory_space<vmem>>, vector<16xf32>,
      %mul3A_958 = arith.mulf %get3A_954, %get3A_957 : vector<16xf32>
      %add3A_959 = arith.addf %mul3A_951, %mul3A_958 : vector<16xf32>
      %get3A_960 = arith.index_cast %add3A_944 : i32 to index
      %get3A_961 = arith.constant 32 : index
      %get3A_962 = tpu.vector_load %arg13[%get3A_960, %get3A_961] {strides = array<i32>} : memref<512x64xf32, #tpu.memory_space<vmem>>, vector<16xf32>,
      %get3A_963 = arith.index_cast %add3A_944 : i32 to index
      %get3A_964 = arith.constant 32 : index
      %get3A_965 = tpu.vector_load %arg14[%get3A_963, %get3A_964] {strides = array<i32>} : memref<512x64xf32, #tpu.memory_space<vmem>>, vector<16xf32>,
      %mul3A_966 = arith.mulf %get3A_962, %get3A_965 : vector<16xf32>
      %add3A_967 = arith.addf %add3A_959, %mul3A_966 : vector<16xf32>
      %get3A_968 = arith.index_cast %add3A_944 : i32 to index
      %get3A_969 = arith.constant 48 : index
      %get3A_970 = tpu.vector_load %arg13[%get3A_968, %get3A_969] {strides = array<i32>} : memref<512x64xf32, #tpu.memory_space<vmem>>, vector<16xf32>,
      %get3A_971 = arith.index_cast %add3A_944 : i32 to index
      %get3A_972 = arith.constant 48 : index
      %get3A_973 = tpu.vector_load %arg14[%get3A_971, %get3A_972] {strides = array<i32>} : memref<512x64xf32, #tpu.memory_space<vmem>>, vector<16xf32>,
      %mul3A_974 = arith.mulf %get3A_970, %get3A_973 : vector<16xf32>
      %add3A_975 = arith.addf %add3A_967, %mul3A_974 : vector<16xf32>
      %eq3A_976 = arith.constant 5 : i32
      %eq3A_977 = vector.broadcast %eq3A_976 : i32 to vector<16xi32>
      %eq3A_978 = arith.cmpi eq, %iota3A, %eq3A_977 : vector<16xi32>
      %gather3A_979 = vector.shape_cast %reshape3A : vector<16x1xi32> to vector<16xi32>
      %gather3A_980 = tpu.dynamic_gather %add3A_975[%gather3A_979] in [0] : vector<16xf32>, vector<16xi32> -> vector<16xf32>
      %add3A_981 = arith.addf %add3A_975, %gather3A_980 : vector<16xf32>
      %gather3A_982 = vector.shape_cast %reshape3A_18 : vector<16x1xi32> to vector<16xi32>
      %gather3A_983 = tpu.dynamic_gather %add3A_981[%gather3A_982] in [0] : vector<16xf32>, vector<16xi32> -> vector<16xf32>
      %add3A_984 = arith.addf %add3A_981, %gather3A_983 : vector<16xf32>
      %gather3A_985 = vector.shape_cast %reshape3A_22 : vector<16x1xi32> to vector<16xi32>
      %gather3A_986 = tpu.dynamic_gather %add3A_984[%gather3A_985] in [0] : vector<16xf32>, vector<16xi32> -> vector<16xf32>
      %add3A_987 = arith.addf %add3A_984, %gather3A_986 : vector<16xf32>
      %gather3A_988 = vector.shape_cast %reshape3A_26 : vector<16x1xi32> to vector<16xi32>
      %gather3A_989 = tpu.dynamic_gather %add3A_987[%gather3A_988] in [0] : vector<16xf32>, vector<16xi32> -> vector<16xf32>
      %add3A_990 = arith.addf %add3A_987, %gather3A_989 : vector<16xf32>
      %add3A_991 = arith.addf %add3A_990, %select_n3A_942 : vector<16xf32>
      %select_n3A_992 = arith.select %eq3A_978, %add3A_991, %select_n3A_942 : vector<16xi1>, vector<16xf32>
      %add3A_993 = arith.constant 6 : i32
      %add3A_994 = arith.addi %mul3A_692, %add3A_993 : i32
      %get3A_995 = arith.index_cast %add3A_994 : i32 to index
      %get3A_996 = arith.constant 0 : index
      %get3A_997 = tpu.vector_load %arg13[%get3A_995, %get3A_996] {strides = array<i32>} : memref<512x64xf32, #tpu.memory_space<vmem>>, vector<16xf32>,
      %get3A_998 = arith.index_cast %add3A_994 : i32 to index
      %get3A_999 = arith.constant 0 : index
      %get3A_1000 = tpu.vector_load %arg14[%get3A_998, %get3A_999] {strides = array<i32>} : memref<512x64xf32, #tpu.memory_space<vmem>>, vector<16xf32>,
      %mul3A_1001 = arith.mulf %get3A_997, %get3A_1000 : vector<16xf32>
      %get3A_1002 = arith.index_cast %add3A_994 : i32 to index
      %get3A_1003 = arith.constant 16 : index
      %get3A_1004 = tpu.vector_load %arg13[%get3A_1002, %get3A_1003] {strides = array<i32>} : memref<512x64xf32, #tpu.memory_space<vmem>>, vector<16xf32>,
      %get3A_1005 = arith.index_cast %add3A_994 : i32 to index
      %get3A_1006 = arith.constant 16 : index
      %get3A_1007 = tpu.vector_load %arg14[%get3A_1005, %get3A_1006] {strides = array<i32>} : memref<512x64xf32, #tpu.memory_space<vmem>>, vector<16xf32>,
      %mul3A_1008 = arith.mulf %get3A_1004, %get3A_1007 : vector<16xf32>
      %add3A_1009 = arith.addf %mul3A_1001, %mul3A_1008 : vector<16xf32>
      %get3A_1010 = arith.index_cast %add3A_994 : i32 to index
      %get3A_1011 = arith.constant 32 : index
      %get3A_1012 = tpu.vector_load %arg13[%get3A_1010, %get3A_1011] {strides = array<i32>} : memref<512x64xf32, #tpu.memory_space<vmem>>, vector<16xf32>,
      %get3A_1013 = arith.index_cast %add3A_994 : i32 to index
      %get3A_1014 = arith.constant 32 : index
      %get3A_1015 = tpu.vector_load %arg14[%get3A_1013, %get3A_1014] {strides = array<i32>} : memref<512x64xf32, #tpu.memory_space<vmem>>, vector<16xf32>,
      %mul3A_1016 = arith.mulf %get3A_1012, %get3A_1015 : vector<16xf32>
      %add3A_1017 = arith.addf %add3A_1009, %mul3A_1016 : vector<16xf32>
      %get3A_1018 = arith.index_cast %add3A_994 : i32 to index
      %get3A_1019 = arith.constant 48 : index
      %get3A_1020 = tpu.vector_load %arg13[%get3A_1018, %get3A_1019] {strides = array<i32>} : memref<512x64xf32, #tpu.memory_space<vmem>>, vector<16xf32>,
      %get3A_1021 = arith.index_cast %add3A_994 : i32 to index
      %get3A_1022 = arith.constant 48 : index
      %get3A_1023 = tpu.vector_load %arg14[%get3A_1021, %get3A_1022] {strides = array<i32>} : memref<512x64xf32, #tpu.memory_space<vmem>>, vector<16xf32>,
      %mul3A_1024 = arith.mulf %get3A_1020, %get3A_1023 : vector<16xf32>
      %add3A_1025 = arith.addf %add3A_1017, %mul3A_1024 : vector<16xf32>
      %eq3A_1026 = arith.constant 6 : i32
      %eq3A_1027 = vector.broadcast %eq3A_1026 : i32 to vector<16xi32>
      %eq3A_1028 = arith.cmpi eq, %iota3A, %eq3A_1027 : vector<16xi32>
      %gather3A_1029 = vector.shape_cast %reshape3A : vector<16x1xi32> to vector<16xi32>
      %gather3A_1030 = tpu.dynamic_gather %add3A_1025[%gather3A_1029] in [0] : vector<16xf32>, vector<16xi32> -> vector<16xf32>
      %add3A_1031 = arith.addf %add3A_1025, %gather3A_1030 : vector<16xf32>
      %gather3A_1032 = vector.shape_cast %reshape3A_18 : vector<16x1xi32> to vector<16xi32>
      %gather3A_1033 = tpu.dynamic_gather %add3A_1031[%gather3A_1032] in [0] : vector<16xf32>, vector<16xi32> -> vector<16xf32>
      %add3A_1034 = arith.addf %add3A_1031, %gather3A_1033 : vector<16xf32>
      %gather3A_1035 = vector.shape_cast %reshape3A_22 : vector<16x1xi32> to vector<16xi32>
      %gather3A_1036 = tpu.dynamic_gather %add3A_1034[%gather3A_1035] in [0] : vector<16xf32>, vector<16xi32> -> vector<16xf32>
      %add3A_1037 = arith.addf %add3A_1034, %gather3A_1036 : vector<16xf32>
      %gather3A_1038 = vector.shape_cast %reshape3A_26 : vector<16x1xi32> to vector<16xi32>
      %gather3A_1039 = tpu.dynamic_gather %add3A_1037[%gather3A_1038] in [0] : vector<16xf32>, vector<16xi32> -> vector<16xf32>
      %add3A_1040 = arith.addf %add3A_1037, %gather3A_1039 : vector<16xf32>
      %add3A_1041 = arith.addf %add3A_1040, %select_n3A_992 : vector<16xf32>
      %select_n3A_1042 = arith.select %eq3A_1028, %add3A_1041, %select_n3A_992 : vector<16xi1>, vector<16xf32>
      %add3A_1043 = arith.constant 7 : i32
      %add3A_1044 = arith.addi %mul3A_692, %add3A_1043 : i32
      %get3A_1045 = arith.index_cast %add3A_1044 : i32 to index
      %get3A_1046 = arith.constant 0 : index
      %get3A_1047 = tpu.vector_load %arg13[%get3A_1045, %get3A_1046] {strides = array<i32>} : memref<512x64xf32, #tpu.memory_space<vmem>>, vector<16xf32>,
      %get3A_1048 = arith.index_cast %add3A_1044 : i32 to index
      %get3A_1049 = arith.constant 0 : index
      %get3A_1050 = tpu.vector_load %arg14[%get3A_1048, %get3A_1049] {strides = array<i32>} : memref<512x64xf32, #tpu.memory_space<vmem>>, vector<16xf32>,
      %mul3A_1051 = arith.mulf %get3A_1047, %get3A_1050 : vector<16xf32>
      %get3A_1052 = arith.index_cast %add3A_1044 : i32 to index
      %get3A_1053 = arith.constant 16 : index
      %get3A_1054 = tpu.vector_load %arg13[%get3A_1052, %get3A_1053] {strides = array<i32>} : memref<512x64xf32, #tpu.memory_space<vmem>>, vector<16xf32>,
      %get3A_1055 = arith.index_cast %add3A_1044 : i32 to index
      %get3A_1056 = arith.constant 16 : index
      %get3A_1057 = tpu.vector_load %arg14[%get3A_1055, %get3A_1056] {strides = array<i32>} : memref<512x64xf32, #tpu.memory_space<vmem>>, vector<16xf32>,
      %mul3A_1058 = arith.mulf %get3A_1054, %get3A_1057 : vector<16xf32>
      %add3A_1059 = arith.addf %mul3A_1051, %mul3A_1058 : vector<16xf32>
      %get3A_1060 = arith.index_cast %add3A_1044 : i32 to index
      %get3A_1061 = arith.constant 32 : index
      %get3A_1062 = tpu.vector_load %arg13[%get3A_1060, %get3A_1061] {strides = array<i32>} : memref<512x64xf32, #tpu.memory_space<vmem>>, vector<16xf32>,
      %get3A_1063 = arith.index_cast %add3A_1044 : i32 to index
      %get3A_1064 = arith.constant 32 : index
      %get3A_1065 = tpu.vector_load %arg14[%get3A_1063, %get3A_1064] {strides = array<i32>} : memref<512x64xf32, #tpu.memory_space<vmem>>, vector<16xf32>,
      %mul3A_1066 = arith.mulf %get3A_1062, %get3A_1065 : vector<16xf32>
      %add3A_1067 = arith.addf %add3A_1059, %mul3A_1066 : vector<16xf32>
      %get3A_1068 = arith.index_cast %add3A_1044 : i32 to index
      %get3A_1069 = arith.constant 48 : index
      %get3A_1070 = tpu.vector_load %arg13[%get3A_1068, %get3A_1069] {strides = array<i32>} : memref<512x64xf32, #tpu.memory_space<vmem>>, vector<16xf32>,
      %get3A_1071 = arith.index_cast %add3A_1044 : i32 to index
      %get3A_1072 = arith.constant 48 : index
      %get3A_1073 = tpu.vector_load %arg14[%get3A_1071, %get3A_1072] {strides = array<i32>} : memref<512x64xf32, #tpu.memory_space<vmem>>, vector<16xf32>,
      %mul3A_1074 = arith.mulf %get3A_1070, %get3A_1073 : vector<16xf32>
      %add3A_1075 = arith.addf %add3A_1067, %mul3A_1074 : vector<16xf32>
      %eq3A_1076 = arith.constant 7 : i32
      %eq3A_1077 = vector.broadcast %eq3A_1076 : i32 to vector<16xi32>
      %eq3A_1078 = arith.cmpi eq, %iota3A, %eq3A_1077 : vector<16xi32>
      %gather3A_1079 = vector.shape_cast %reshape3A : vector<16x1xi32> to vector<16xi32>
      %gather3A_1080 = tpu.dynamic_gather %add3A_1075[%gather3A_1079] in [0] : vector<16xf32>, vector<16xi32> -> vector<16xf32>
      %add3A_1081 = arith.addf %add3A_1075, %gather3A_1080 : vector<16xf32>
      %gather3A_1082 = vector.shape_cast %reshape3A_18 : vector<16x1xi32> to vector<16xi32>
      %gather3A_1083 = tpu.dynamic_gather %add3A_1081[%gather3A_1082] in [0] : vector<16xf32>, vector<16xi32> -> vector<16xf32>
      %add3A_1084 = arith.addf %add3A_1081, %gather3A_1083 : vector<16xf32>
      %gather3A_1085 = vector.shape_cast %reshape3A_22 : vector<16x1xi32> to vector<16xi32>
      %gather3A_1086 = tpu.dynamic_gather %add3A_1084[%gather3A_1085] in [0] : vector<16xf32>, vector<16xi32> -> vector<16xf32>
      %add3A_1087 = arith.addf %add3A_1084, %gather3A_1086 : vector<16xf32>
      %gather3A_1088 = vector.shape_cast %reshape3A_26 : vector<16x1xi32> to vector<16xi32>
      %gather3A_1089 = tpu.dynamic_gather %add3A_1087[%gather3A_1088] in [0] : vector<16xf32>, vector<16xi32> -> vector<16xf32>
      %add3A_1090 = arith.addf %add3A_1087, %gather3A_1089 : vector<16xf32>
      %add3A_1091 = arith.addf %add3A_1090, %select_n3A_1042 : vector<16xf32>
      %select_n3A_1092 = arith.select %eq3A_1078, %add3A_1091, %select_n3A_1042 : vector<16xi1>, vector<16xf32>
      %add3A_1093 = arith.constant 8 : i32
      %add3A_1094 = arith.addi %mul3A_692, %add3A_1093 : i32
      %get3A_1095 = arith.index_cast %add3A_1094 : i32 to index
      %get3A_1096 = arith.constant 0 : index
      %get3A_1097 = tpu.vector_load %arg13[%get3A_1095, %get3A_1096] {strides = array<i32>} : memref<512x64xf32, #tpu.memory_space<vmem>>, vector<16xf32>,
      %get3A_1098 = arith.index_cast %add3A_1094 : i32 to index
      %get3A_1099 = arith.constant 0 : index
      %get3A_1100 = tpu.vector_load %arg14[%get3A_1098, %get3A_1099] {strides = array<i32>} : memref<512x64xf32, #tpu.memory_space<vmem>>, vector<16xf32>,
      %mul3A_1101 = arith.mulf %get3A_1097, %get3A_1100 : vector<16xf32>
      %get3A_1102 = arith.index_cast %add3A_1094 : i32 to index
      %get3A_1103 = arith.constant 16 : index
      %get3A_1104 = tpu.vector_load %arg13[%get3A_1102, %get3A_1103] {strides = array<i32>} : memref<512x64xf32, #tpu.memory_space<vmem>>, vector<16xf32>,
      %get3A_1105 = arith.index_cast %add3A_1094 : i32 to index
      %get3A_1106 = arith.constant 16 : index
      %get3A_1107 = tpu.vector_load %arg14[%get3A_1105, %get3A_1106] {strides = array<i32>} : memref<512x64xf32, #tpu.memory_space<vmem>>, vector<16xf32>,
      %mul3A_1108 = arith.mulf %get3A_1104, %get3A_1107 : vector<16xf32>
      %add3A_1109 = arith.addf %mul3A_1101, %mul3A_1108 : vector<16xf32>
      %get3A_1110 = arith.index_cast %add3A_1094 : i32 to index
      %get3A_1111 = arith.constant 32 : index
      %get3A_1112 = tpu.vector_load %arg13[%get3A_1110, %get3A_1111] {strides = array<i32>} : memref<512x64xf32, #tpu.memory_space<vmem>>, vector<16xf32>,
      %get3A_1113 = arith.index_cast %add3A_1094 : i32 to index
      %get3A_1114 = arith.constant 32 : index
      %get3A_1115 = tpu.vector_load %arg14[%get3A_1113, %get3A_1114] {strides = array<i32>} : memref<512x64xf32, #tpu.memory_space<vmem>>, vector<16xf32>,
      %mul3A_1116 = arith.mulf %get3A_1112, %get3A_1115 : vector<16xf32>
      %add3A_1117 = arith.addf %add3A_1109, %mul3A_1116 : vector<16xf32>
      %get3A_1118 = arith.index_cast %add3A_1094 : i32 to index
      %get3A_1119 = arith.constant 48 : index
      %get3A_1120 = tpu.vector_load %arg13[%get3A_1118, %get3A_1119] {strides = array<i32>} : memref<512x64xf32, #tpu.memory_space<vmem>>, vector<16xf32>,
      %get3A_1121 = arith.index_cast %add3A_1094 : i32 to index
      %get3A_1122 = arith.constant 48 : index
      %get3A_1123 = tpu.vector_load %arg14[%get3A_1121, %get3A_1122] {strides = array<i32>} : memref<512x64xf32, #tpu.memory_space<vmem>>, vector<16xf32>,
      %mul3A_1124 = arith.mulf %get3A_1120, %get3A_1123 : vector<16xf32>
      %add3A_1125 = arith.addf %add3A_1117, %mul3A_1124 : vector<16xf32>
      %eq3A_1126 = arith.constant 8 : i32
      %eq3A_1127 = vector.broadcast %eq3A_1126 : i32 to vector<16xi32>
      %eq3A_1128 = arith.cmpi eq, %iota3A, %eq3A_1127 : vector<16xi32>
      %gather3A_1129 = vector.shape_cast %reshape3A : vector<16x1xi32> to vector<16xi32>
      %gather3A_1130 = tpu.dynamic_gather %add3A_1125[%gather3A_1129] in [0] : vector<16xf32>, vector<16xi32> -> vector<16xf32>
      %add3A_1131 = arith.addf %add3A_1125, %gather3A_1130 : vector<16xf32>
      %gather3A_1132 = vector.shape_cast %reshape3A_18 : vector<16x1xi32> to vector<16xi32>
      %gather3A_1133 = tpu.dynamic_gather %add3A_1131[%gather3A_1132] in [0] : vector<16xf32>, vector<16xi32> -> vector<16xf32>
      %add3A_1134 = arith.addf %add3A_1131, %gather3A_1133 : vector<16xf32>
      %gather3A_1135 = vector.shape_cast %reshape3A_22 : vector<16x1xi32> to vector<16xi32>
      %gather3A_1136 = tpu.dynamic_gather %add3A_1134[%gather3A_1135] in [0] : vector<16xf32>, vector<16xi32> -> vector<16xf32>
      %add3A_1137 = arith.addf %add3A_1134, %gather3A_1136 : vector<16xf32>
      %gather3A_1138 = vector.shape_cast %reshape3A_26 : vector<16x1xi32> to vector<16xi32>
      %gather3A_1139 = tpu.dynamic_gather %add3A_1137[%gather3A_1138] in [0] : vector<16xf32>, vector<16xi32> -> vector<16xf32>
      %add3A_1140 = arith.addf %add3A_1137, %gather3A_1139 : vector<16xf32>
      %add3A_1141 = arith.addf %add3A_1140, %select_n3A_1092 : vector<16xf32>
      %select_n3A_1142 = arith.select %eq3A_1128, %add3A_1141, %select_n3A_1092 : vector<16xi1>, vector<16xf32>
      %add3A_1143 = arith.constant 9 : i32
      %add3A_1144 = arith.addi %mul3A_692, %add3A_1143 : i32
      %get3A_1145 = arith.index_cast %add3A_1144 : i32 to index
      %get3A_1146 = arith.constant 0 : index
      %get3A_1147 = tpu.vector_load %arg13[%get3A_1145, %get3A_1146] {strides = array<i32>} : memref<512x64xf32, #tpu.memory_space<vmem>>, vector<16xf32>,
      %get3A_1148 = arith.index_cast %add3A_1144 : i32 to index
      %get3A_1149 = arith.constant 0 : index
      %get3A_1150 = tpu.vector_load %arg14[%get3A_1148, %get3A_1149] {strides = array<i32>} : memref<512x64xf32, #tpu.memory_space<vmem>>, vector<16xf32>,
      %mul3A_1151 = arith.mulf %get3A_1147, %get3A_1150 : vector<16xf32>
      %get3A_1152 = arith.index_cast %add3A_1144 : i32 to index
      %get3A_1153 = arith.constant 16 : index
      %get3A_1154 = tpu.vector_load %arg13[%get3A_1152, %get3A_1153] {strides = array<i32>} : memref<512x64xf32, #tpu.memory_space<vmem>>, vector<16xf32>,
      %get3A_1155 = arith.index_cast %add3A_1144 : i32 to index
      %get3A_1156 = arith.constant 16 : index
      %get3A_1157 = tpu.vector_load %arg14[%get3A_1155, %get3A_1156] {strides = array<i32>} : memref<512x64xf32, #tpu.memory_space<vmem>>, vector<16xf32>,
      %mul3A_1158 = arith.mulf %get3A_1154, %get3A_1157 : vector<16xf32>
      %add3A_1159 = arith.addf %mul3A_1151, %mul3A_1158 : vector<16xf32>
      %get3A_1160 = arith.index_cast %add3A_1144 : i32 to index
      %get3A_1161 = arith.constant 32 : index
      %get3A_1162 = tpu.vector_load %arg13[%get3A_1160, %get3A_1161] {strides = array<i32>} : memref<512x64xf32, #tpu.memory_space<vmem>>, vector<16xf32>,
      %get3A_1163 = arith.index_cast %add3A_1144 : i32 to index
      %get3A_1164 = arith.constant 32 : index
      %get3A_1165 = tpu.vector_load %arg14[%get3A_1163, %get3A_1164] {strides = array<i32>} : memref<512x64xf32, #tpu.memory_space<vmem>>, vector<16xf32>,
      %mul3A_1166 = arith.mulf %get3A_1162, %get3A_1165 : vector<16xf32>
      %add3A_1167 = arith.addf %add3A_1159, %mul3A_1166 : vector<16xf32>
      %get3A_1168 = arith.index_cast %add3A_1144 : i32 to index
      %get3A_1169 = arith.constant 48 : index
      %get3A_1170 = tpu.vector_load %arg13[%get3A_1168, %get3A_1169] {strides = array<i32>} : memref<512x64xf32, #tpu.memory_space<vmem>>, vector<16xf32>,
      %get3A_1171 = arith.index_cast %add3A_1144 : i32 to index
      %get3A_1172 = arith.constant 48 : index
      %get3A_1173 = tpu.vector_load %arg14[%get3A_1171, %get3A_1172] {strides = array<i32>} : memref<512x64xf32, #tpu.memory_space<vmem>>, vector<16xf32>,
      %mul3A_1174 = arith.mulf %get3A_1170, %get3A_1173 : vector<16xf32>
      %add3A_1175 = arith.addf %add3A_1167, %mul3A_1174 : vector<16xf32>
      %eq3A_1176 = arith.constant 9 : i32
      %eq3A_1177 = vector.broadcast %eq3A_1176 : i32 to vector<16xi32>
      %eq3A_1178 = arith.cmpi eq, %iota3A, %eq3A_1177 : vector<16xi32>
      %gather3A_1179 = vector.shape_cast %reshape3A : vector<16x1xi32> to vector<16xi32>
      %gather3A_1180 = tpu.dynamic_gather %add3A_1175[%gather3A_1179] in [0] : vector<16xf32>, vector<16xi32> -> vector<16xf32>
      %add3A_1181 = arith.addf %add3A_1175, %gather3A_1180 : vector<16xf32>
      %gather3A_1182 = vector.shape_cast %reshape3A_18 : vector<16x1xi32> to vector<16xi32>
      %gather3A_1183 = tpu.dynamic_gather %add3A_1181[%gather3A_1182] in [0] : vector<16xf32>, vector<16xi32> -> vector<16xf32>
      %add3A_1184 = arith.addf %add3A_1181, %gather3A_1183 : vector<16xf32>
      %gather3A_1185 = vector.shape_cast %reshape3A_22 : vector<16x1xi32> to vector<16xi32>
      %gather3A_1186 = tpu.dynamic_gather %add3A_1184[%gather3A_1185] in [0] : vector<16xf32>, vector<16xi32> -> vector<16xf32>
      %add3A_1187 = arith.addf %add3A_1184, %gather3A_1186 : vector<16xf32>
      %gather3A_1188 = vector.shape_cast %reshape3A_26 : vector<16x1xi32> to vector<16xi32>
      %gather3A_1189 = tpu.dynamic_gather %add3A_1187[%gather3A_1188] in [0] : vector<16xf32>, vector<16xi32> -> vector<16xf32>
      %add3A_1190 = arith.addf %add3A_1187, %gather3A_1189 : vector<16xf32>
      %add3A_1191 = arith.addf %add3A_1190, %select_n3A_1142 : vector<16xf32>
      %select_n3A_1192 = arith.select %eq3A_1178, %add3A_1191, %select_n3A_1142 : vector<16xi1>, vector<16xf32>
      %add3A_1193 = arith.constant 10 : i32
      %add3A_1194 = arith.addi %mul3A_692, %add3A_1193 : i32
      %get3A_1195 = arith.index_cast %add3A_1194 : i32 to index
      %get3A_1196 = arith.constant 0 : index
      %get3A_1197 = tpu.vector_load %arg13[%get3A_1195, %get3A_1196] {strides = array<i32>} : memref<512x64xf32, #tpu.memory_space<vmem>>, vector<16xf32>,
      %get3A_1198 = arith.index_cast %add3A_1194 : i32 to index
      %get3A_1199 = arith.constant 0 : index
      %get3A_1200 = tpu.vector_load %arg14[%get3A_1198, %get3A_1199] {strides = array<i32>} : memref<512x64xf32, #tpu.memory_space<vmem>>, vector<16xf32>,
      %mul3A_1201 = arith.mulf %get3A_1197, %get3A_1200 : vector<16xf32>
      %get3A_1202 = arith.index_cast %add3A_1194 : i32 to index
      %get3A_1203 = arith.constant 16 : index
      %get3A_1204 = tpu.vector_load %arg13[%get3A_1202, %get3A_1203] {strides = array<i32>} : memref<512x64xf32, #tpu.memory_space<vmem>>, vector<16xf32>,
      %get3A_1205 = arith.index_cast %add3A_1194 : i32 to index
      %get3A_1206 = arith.constant 16 : index
      %get3A_1207 = tpu.vector_load %arg14[%get3A_1205, %get3A_1206] {strides = array<i32>} : memref<512x64xf32, #tpu.memory_space<vmem>>, vector<16xf32>,
      %mul3A_1208 = arith.mulf %get3A_1204, %get3A_1207 : vector<16xf32>
      %add3A_1209 = arith.addf %mul3A_1201, %mul3A_1208 : vector<16xf32>
      %get3A_1210 = arith.index_cast %add3A_1194 : i32 to index
      %get3A_1211 = arith.constant 32 : index
      %get3A_1212 = tpu.vector_load %arg13[%get3A_1210, %get3A_1211] {strides = array<i32>} : memref<512x64xf32, #tpu.memory_space<vmem>>, vector<16xf32>,
      %get3A_1213 = arith.index_cast %add3A_1194 : i32 to index
      %get3A_1214 = arith.constant 32 : index
      %get3A_1215 = tpu.vector_load %arg14[%get3A_1213, %get3A_1214] {strides = array<i32>} : memref<512x64xf32, #tpu.memory_space<vmem>>, vector<16xf32>,
      %mul3A_1216 = arith.mulf %get3A_1212, %get3A_1215 : vector<16xf32>
      %add3A_1217 = arith.addf %add3A_1209, %mul3A_1216 : vector<16xf32>
      %get3A_1218 = arith.index_cast %add3A_1194 : i32 to index
      %get3A_1219 = arith.constant 48 : index
      %get3A_1220 = tpu.vector_load %arg13[%get3A_1218, %get3A_1219] {strides = array<i32>} : memref<512x64xf32, #tpu.memory_space<vmem>>, vector<16xf32>,
      %get3A_1221 = arith.index_cast %add3A_1194 : i32 to index
      %get3A_1222 = arith.constant 48 : index
      %get3A_1223 = tpu.vector_load %arg14[%get3A_1221, %get3A_1222] {strides = array<i32>} : memref<512x64xf32, #tpu.memory_space<vmem>>, vector<16xf32>,
      %mul3A_1224 = arith.mulf %get3A_1220, %get3A_1223 : vector<16xf32>
      %add3A_1225 = arith.addf %add3A_1217, %mul3A_1224 : vector<16xf32>
      %eq3A_1226 = arith.constant 10 : i32
      %eq3A_1227 = vector.broadcast %eq3A_1226 : i32 to vector<16xi32>
      %eq3A_1228 = arith.cmpi eq, %iota3A, %eq3A_1227 : vector<16xi32>
      %gather3A_1229 = vector.shape_cast %reshape3A : vector<16x1xi32> to vector<16xi32>
      %gather3A_1230 = tpu.dynamic_gather %add3A_1225[%gather3A_1229] in [0] : vector<16xf32>, vector<16xi32> -> vector<16xf32>
      %add3A_1231 = arith.addf %add3A_1225, %gather3A_1230 : vector<16xf32>
      %gather3A_1232 = vector.shape_cast %reshape3A_18 : vector<16x1xi32> to vector<16xi32>
      %gather3A_1233 = tpu.dynamic_gather %add3A_1231[%gather3A_1232] in [0] : vector<16xf32>, vector<16xi32> -> vector<16xf32>
      %add3A_1234 = arith.addf %add3A_1231, %gather3A_1233 : vector<16xf32>
      %gather3A_1235 = vector.shape_cast %reshape3A_22 : vector<16x1xi32> to vector<16xi32>
      %gather3A_1236 = tpu.dynamic_gather %add3A_1234[%gather3A_1235] in [0] : vector<16xf32>, vector<16xi32> -> vector<16xf32>
      %add3A_1237 = arith.addf %add3A_1234, %gather3A_1236 : vector<16xf32>
      %gather3A_1238 = vector.shape_cast %reshape3A_26 : vector<16x1xi32> to vector<16xi32>
      %gather3A_1239 = tpu.dynamic_gather %add3A_1237[%gather3A_1238] in [0] : vector<16xf32>, vector<16xi32> -> vector<16xf32>
      %add3A_1240 = arith.addf %add3A_1237, %gather3A_1239 : vector<16xf32>
      %add3A_1241 = arith.addf %add3A_1240, %select_n3A_1192 : vector<16xf32>
      %select_n3A_1242 = arith.select %eq3A_1228, %add3A_1241, %select_n3A_1192 : vector<16xi1>, vector<16xf32>
      %add3A_1243 = arith.constant 11 : i32
      %add3A_1244 = arith.addi %mul3A_692, %add3A_1243 : i32
      %get3A_1245 = arith.index_cast %add3A_1244 : i32 to index
      %get3A_1246 = arith.constant 0 : index
      %get3A_1247 = tpu.vector_load %arg13[%get3A_1245, %get3A_1246] {strides = array<i32>} : memref<512x64xf32, #tpu.memory_space<vmem>>, vector<16xf32>,
      %get3A_1248 = arith.index_cast %add3A_1244 : i32 to index
      %get3A_1249 = arith.constant 0 : index
      %get3A_1250 = tpu.vector_load %arg14[%get3A_1248, %get3A_1249] {strides = array<i32>} : memref<512x64xf32, #tpu.memory_space<vmem>>, vector<16xf32>,
      %mul3A_1251 = arith.mulf %get3A_1247, %get3A_1250 : vector<16xf32>
      %get3A_1252 = arith.index_cast %add3A_1244 : i32 to index
      %get3A_1253 = arith.constant 16 : index
      %get3A_1254 = tpu.vector_load %arg13[%get3A_1252, %get3A_1253] {strides = array<i32>} : memref<512x64xf32, #tpu.memory_space<vmem>>, vector<16xf32>,
      %get3A_1255 = arith.index_cast %add3A_1244 : i32 to index
      %get3A_1256 = arith.constant 16 : index
      %get3A_1257 = tpu.vector_load %arg14[%get3A_1255, %get3A_1256] {strides = array<i32>} : memref<512x64xf32, #tpu.memory_space<vmem>>, vector<16xf32>,
      %mul3A_1258 = arith.mulf %get3A_1254, %get3A_1257 : vector<16xf32>
      %add3A_1259 = arith.addf %mul3A_1251, %mul3A_1258 : vector<16xf32>
      %get3A_1260 = arith.index_cast %add3A_1244 : i32 to index
      %get3A_1261 = arith.constant 32 : index
      %get3A_1262 = tpu.vector_load %arg13[%get3A_1260, %get3A_1261] {strides = array<i32>} : memref<512x64xf32, #tpu.memory_space<vmem>>, vector<16xf32>,
      %get3A_1263 = arith.index_cast %add3A_1244 : i32 to index
      %get3A_1264 = arith.constant 32 : index
      %get3A_1265 = tpu.vector_load %arg14[%get3A_1263, %get3A_1264] {strides = array<i32>} : memref<512x64xf32, #tpu.memory_space<vmem>>, vector<16xf32>,
      %mul3A_1266 = arith.mulf %get3A_1262, %get3A_1265 : vector<16xf32>
      %add3A_1267 = arith.addf %add3A_1259, %mul3A_1266 : vector<16xf32>
      %get3A_1268 = arith.index_cast %add3A_1244 : i32 to index
      %get3A_1269 = arith.constant 48 : index
      %get3A_1270 = tpu.vector_load %arg13[%get3A_1268, %get3A_1269] {strides = array<i32>} : memref<512x64xf32, #tpu.memory_space<vmem>>, vector<16xf32>,
      %get3A_1271 = arith.index_cast %add3A_1244 : i32 to index
      %get3A_1272 = arith.constant 48 : index
      %get3A_1273 = tpu.vector_load %arg14[%get3A_1271, %get3A_1272] {strides = array<i32>} : memref<512x64xf32, #tpu.memory_space<vmem>>, vector<16xf32>,
      %mul3A_1274 = arith.mulf %get3A_1270, %get3A_1273 : vector<16xf32>
      %add3A_1275 = arith.addf %add3A_1267, %mul3A_1274 : vector<16xf32>
      %eq3A_1276 = arith.constant 11 : i32
      %eq3A_1277 = vector.broadcast %eq3A_1276 : i32 to vector<16xi32>
      %eq3A_1278 = arith.cmpi eq, %iota3A, %eq3A_1277 : vector<16xi32>
      %gather3A_1279 = vector.shape_cast %reshape3A : vector<16x1xi32> to vector<16xi32>
      %gather3A_1280 = tpu.dynamic_gather %add3A_1275[%gather3A_1279] in [0] : vector<16xf32>, vector<16xi32> -> vector<16xf32>
      %add3A_1281 = arith.addf %add3A_1275, %gather3A_1280 : vector<16xf32>
      %gather3A_1282 = vector.shape_cast %reshape3A_18 : vector<16x1xi32> to vector<16xi32>
      %gather3A_1283 = tpu.dynamic_gather %add3A_1281[%gather3A_1282] in [0] : vector<16xf32>, vector<16xi32> -> vector<16xf32>
      %add3A_1284 = arith.addf %add3A_1281, %gather3A_1283 : vector<16xf32>
      %gather3A_1285 = vector.shape_cast %reshape3A_22 : vector<16x1xi32> to vector<16xi32>
      %gather3A_1286 = tpu.dynamic_gather %add3A_1284[%gather3A_1285] in [0] : vector<16xf32>, vector<16xi32> -> vector<16xf32>
      %add3A_1287 = arith.addf %add3A_1284, %gather3A_1286 : vector<16xf32>
      %gather3A_1288 = vector.shape_cast %reshape3A_26 : vector<16x1xi32> to vector<16xi32>
      %gather3A_1289 = tpu.dynamic_gather %add3A_1287[%gather3A_1288] in [0] : vector<16xf32>, vector<16xi32> -> vector<16xf32>
      %add3A_1290 = arith.addf %add3A_1287, %gather3A_1289 : vector<16xf32>
      %add3A_1291 = arith.addf %add3A_1290, %select_n3A_1242 : vector<16xf32>
      %select_n3A_1292 = arith.select %eq3A_1278, %add3A_1291, %select_n3A_1242 : vector<16xi1>, vector<16xf32>
      %add3A_1293 = arith.constant 12 : i32
      %add3A_1294 = arith.addi %mul3A_692, %add3A_1293 : i32
      %get3A_1295 = arith.index_cast %add3A_1294 : i32 to index
      %get3A_1296 = arith.constant 0 : index
      %get3A_1297 = tpu.vector_load %arg13[%get3A_1295, %get3A_1296] {strides = array<i32>} : memref<512x64xf32, #tpu.memory_space<vmem>>, vector<16xf32>,
      %get3A_1298 = arith.index_cast %add3A_1294 : i32 to index
      %get3A_1299 = arith.constant 0 : index
      %get3A_1300 = tpu.vector_load %arg14[%get3A_1298, %get3A_1299] {strides = array<i32>} : memref<512x64xf32, #tpu.memory_space<vmem>>, vector<16xf32>,
      %mul3A_1301 = arith.mulf %get3A_1297, %get3A_1300 : vector<16xf32>
      %get3A_1302 = arith.index_cast %add3A_1294 : i32 to index
      %get3A_1303 = arith.constant 16 : index
      %get3A_1304 = tpu.vector_load %arg13[%get3A_1302, %get3A_1303] {strides = array<i32>} : memref<512x64xf32, #tpu.memory_space<vmem>>, vector<16xf32>,
      %get3A_1305 = arith.index_cast %add3A_1294 : i32 to index
      %get3A_1306 = arith.constant 16 : index
      %get3A_1307 = tpu.vector_load %arg14[%get3A_1305, %get3A_1306] {strides = array<i32>} : memref<512x64xf32, #tpu.memory_space<vmem>>, vector<16xf32>,
      %mul3A_1308 = arith.mulf %get3A_1304, %get3A_1307 : vector<16xf32>
      %add3A_1309 = arith.addf %mul3A_1301, %mul3A_1308 : vector<16xf32>
      %get3A_1310 = arith.index_cast %add3A_1294 : i32 to index
      %get3A_1311 = arith.constant 32 : index
      %get3A_1312 = tpu.vector_load %arg13[%get3A_1310, %get3A_1311] {strides = array<i32>} : memref<512x64xf32, #tpu.memory_space<vmem>>, vector<16xf32>,
      %get3A_1313 = arith.index_cast %add3A_1294 : i32 to index
      %get3A_1314 = arith.constant 32 : index
      %get3A_1315 = tpu.vector_load %arg14[%get3A_1313, %get3A_1314] {strides = array<i32>} : memref<512x64xf32, #tpu.memory_space<vmem>>, vector<16xf32>,
      %mul3A_1316 = arith.mulf %get3A_1312, %get3A_1315 : vector<16xf32>
      %add3A_1317 = arith.addf %add3A_1309, %mul3A_1316 : vector<16xf32>
      %get3A_1318 = arith.index_cast %add3A_1294 : i32 to index
      %get3A_1319 = arith.constant 48 : index
      %get3A_1320 = tpu.vector_load %arg13[%get3A_1318, %get3A_1319] {strides = array<i32>} : memref<512x64xf32, #tpu.memory_space<vmem>>, vector<16xf32>,
      %get3A_1321 = arith.index_cast %add3A_1294 : i32 to index
      %get3A_1322 = arith.constant 48 : index
      %get3A_1323 = tpu.vector_load %arg14[%get3A_1321, %get3A_1322] {strides = array<i32>} : memref<512x64xf32, #tpu.memory_space<vmem>>, vector<16xf32>,
      %mul3A_1324 = arith.mulf %get3A_1320, %get3A_1323 : vector<16xf32>
      %add3A_1325 = arith.addf %add3A_1317, %mul3A_1324 : vector<16xf32>
      %eq3A_1326 = arith.constant 12 : i32
      %eq3A_1327 = vector.broadcast %eq3A_1326 : i32 to vector<16xi32>
      %eq3A_1328 = arith.cmpi eq, %iota3A, %eq3A_1327 : vector<16xi32>
      %gather3A_1329 = vector.shape_cast %reshape3A : vector<16x1xi32> to vector<16xi32>
      %gather3A_1330 = tpu.dynamic_gather %add3A_1325[%gather3A_1329] in [0] : vector<16xf32>, vector<16xi32> -> vector<16xf32>
      %add3A_1331 = arith.addf %add3A_1325, %gather3A_1330 : vector<16xf32>
      %gather3A_1332 = vector.shape_cast %reshape3A_18 : vector<16x1xi32> to vector<16xi32>
      %gather3A_1333 = tpu.dynamic_gather %add3A_1331[%gather3A_1332] in [0] : vector<16xf32>, vector<16xi32> -> vector<16xf32>
      %add3A_1334 = arith.addf %add3A_1331, %gather3A_1333 : vector<16xf32>
      %gather3A_1335 = vector.shape_cast %reshape3A_22 : vector<16x1xi32> to vector<16xi32>
      %gather3A_1336 = tpu.dynamic_gather %add3A_1334[%gather3A_1335] in [0] : vector<16xf32>, vector<16xi32> -> vector<16xf32>
      %add3A_1337 = arith.addf %add3A_1334, %gather3A_1336 : vector<16xf32>
      %gather3A_1338 = vector.shape_cast %reshape3A_26 : vector<16x1xi32> to vector<16xi32>
      %gather3A_1339 = tpu.dynamic_gather %add3A_1337[%gather3A_1338] in [0] : vector<16xf32>, vector<16xi32> -> vector<16xf32>
      %add3A_1340 = arith.addf %add3A_1337, %gather3A_1339 : vector<16xf32>
      %add3A_1341 = arith.addf %add3A_1340, %select_n3A_1292 : vector<16xf32>
      %select_n3A_1342 = arith.select %eq3A_1328, %add3A_1341, %select_n3A_1292 : vector<16xi1>, vector<16xf32>
      %add3A_1343 = arith.constant 13 : i32
      %add3A_1344 = arith.addi %mul3A_692, %add3A_1343 : i32
      %get3A_1345 = arith.index_cast %add3A_1344 : i32 to index
      %get3A_1346 = arith.constant 0 : index
      %get3A_1347 = tpu.vector_load %arg13[%get3A_1345, %get3A_1346] {strides = array<i32>} : memref<512x64xf32, #tpu.memory_space<vmem>>, vector<16xf32>,
      %get3A_1348 = arith.index_cast %add3A_1344 : i32 to index
      %get3A_1349 = arith.constant 0 : index
      %get3A_1350 = tpu.vector_load %arg14[%get3A_1348, %get3A_1349] {strides = array<i32>} : memref<512x64xf32, #tpu.memory_space<vmem>>, vector<16xf32>,
      %mul3A_1351 = arith.mulf %get3A_1347, %get3A_1350 : vector<16xf32>
      %get3A_1352 = arith.index_cast %add3A_1344 : i32 to index
      %get3A_1353 = arith.constant 16 : index
      %get3A_1354 = tpu.vector_load %arg13[%get3A_1352, %get3A_1353] {strides = array<i32>} : memref<512x64xf32, #tpu.memory_space<vmem>>, vector<16xf32>,
      %get3A_1355 = arith.index_cast %add3A_1344 : i32 to index
      %get3A_1356 = arith.constant 16 : index
      %get3A_1357 = tpu.vector_load %arg14[%get3A_1355, %get3A_1356] {strides = array<i32>} : memref<512x64xf32, #tpu.memory_space<vmem>>, vector<16xf32>,
      %mul3A_1358 = arith.mulf %get3A_1354, %get3A_1357 : vector<16xf32>
      %add3A_1359 = arith.addf %mul3A_1351, %mul3A_1358 : vector<16xf32>
      %get3A_1360 = arith.index_cast %add3A_1344 : i32 to index
      %get3A_1361 = arith.constant 32 : index
      %get3A_1362 = tpu.vector_load %arg13[%get3A_1360, %get3A_1361] {strides = array<i32>} : memref<512x64xf32, #tpu.memory_space<vmem>>, vector<16xf32>,
      %get3A_1363 = arith.index_cast %add3A_1344 : i32 to index
      %get3A_1364 = arith.constant 32 : index
      %get3A_1365 = tpu.vector_load %arg14[%get3A_1363, %get3A_1364] {strides = array<i32>} : memref<512x64xf32, #tpu.memory_space<vmem>>, vector<16xf32>,
      %mul3A_1366 = arith.mulf %get3A_1362, %get3A_1365 : vector<16xf32>
      %add3A_1367 = arith.addf %add3A_1359, %mul3A_1366 : vector<16xf32>
      %get3A_1368 = arith.index_cast %add3A_1344 : i32 to index
      %get3A_1369 = arith.constant 48 : index
      %get3A_1370 = tpu.vector_load %arg13[%get3A_1368, %get3A_1369] {strides = array<i32>} : memref<512x64xf32, #tpu.memory_space<vmem>>, vector<16xf32>,
      %get3A_1371 = arith.index_cast %add3A_1344 : i32 to index
      %get3A_1372 = arith.constant 48 : index
      %get3A_1373 = tpu.vector_load %arg14[%get3A_1371, %get3A_1372] {strides = array<i32>} : memref<512x64xf32, #tpu.memory_space<vmem>>, vector<16xf32>,
      %mul3A_1374 = arith.mulf %get3A_1370, %get3A_1373 : vector<16xf32>
      %add3A_1375 = arith.addf %add3A_1367, %mul3A_1374 : vector<16xf32>
      %eq3A_1376 = arith.constant 13 : i32
      %eq3A_1377 = vector.broadcast %eq3A_1376 : i32 to vector<16xi32>
      %eq3A_1378 = arith.cmpi eq, %iota3A, %eq3A_1377 : vector<16xi32>
      %gather3A_1379 = vector.shape_cast %reshape3A : vector<16x1xi32> to vector<16xi32>
      %gather3A_1380 = tpu.dynamic_gather %add3A_1375[%gather3A_1379] in [0] : vector<16xf32>, vector<16xi32> -> vector<16xf32>
      %add3A_1381 = arith.addf %add3A_1375, %gather3A_1380 : vector<16xf32>
      %gather3A_1382 = vector.shape_cast %reshape3A_18 : vector<16x1xi32> to vector<16xi32>
      %gather3A_1383 = tpu.dynamic_gather %add3A_1381[%gather3A_1382] in [0] : vector<16xf32>, vector<16xi32> -> vector<16xf32>
      %add3A_1384 = arith.addf %add3A_1381, %gather3A_1383 : vector<16xf32>
      %gather3A_1385 = vector.shape_cast %reshape3A_22 : vector<16x1xi32> to vector<16xi32>
      %gather3A_1386 = tpu.dynamic_gather %add3A_1384[%gather3A_1385] in [0] : vector<16xf32>, vector<16xi32> -> vector<16xf32>
      %add3A_1387 = arith.addf %add3A_1384, %gather3A_1386 : vector<16xf32>
      %gather3A_1388 = vector.shape_cast %reshape3A_26 : vector<16x1xi32> to vector<16xi32>
      %gather3A_1389 = tpu.dynamic_gather %add3A_1387[%gather3A_1388] in [0] : vector<16xf32>, vector<16xi32> -> vector<16xf32>
      %add3A_1390 = arith.addf %add3A_1387, %gather3A_1389 : vector<16xf32>
      %add3A_1391 = arith.addf %add3A_1390, %select_n3A_1342 : vector<16xf32>
      %select_n3A_1392 = arith.select %eq3A_1378, %add3A_1391, %select_n3A_1342 : vector<16xi1>, vector<16xf32>
      %add3A_1393 = arith.constant 14 : i32
      %add3A_1394 = arith.addi %mul3A_692, %add3A_1393 : i32
      %get3A_1395 = arith.index_cast %add3A_1394 : i32 to index
      %get3A_1396 = arith.constant 0 : index
      %get3A_1397 = tpu.vector_load %arg13[%get3A_1395, %get3A_1396] {strides = array<i32>} : memref<512x64xf32, #tpu.memory_space<vmem>>, vector<16xf32>,
      %get3A_1398 = arith.index_cast %add3A_1394 : i32 to index
      %get3A_1399 = arith.constant 0 : index
      %get3A_1400 = tpu.vector_load %arg14[%get3A_1398, %get3A_1399] {strides = array<i32>} : memref<512x64xf32, #tpu.memory_space<vmem>>, vector<16xf32>,
      %mul3A_1401 = arith.mulf %get3A_1397, %get3A_1400 : vector<16xf32>
      %get3A_1402 = arith.index_cast %add3A_1394 : i32 to index
      %get3A_1403 = arith.constant 16 : index
      %get3A_1404 = tpu.vector_load %arg13[%get3A_1402, %get3A_1403] {strides = array<i32>} : memref<512x64xf32, #tpu.memory_space<vmem>>, vector<16xf32>,
      %get3A_1405 = arith.index_cast %add3A_1394 : i32 to index
      %get3A_1406 = arith.constant 16 : index
      %get3A_1407 = tpu.vector_load %arg14[%get3A_1405, %get3A_1406] {strides = array<i32>} : memref<512x64xf32, #tpu.memory_space<vmem>>, vector<16xf32>,
      %mul3A_1408 = arith.mulf %get3A_1404, %get3A_1407 : vector<16xf32>
      %add3A_1409 = arith.addf %mul3A_1401, %mul3A_1408 : vector<16xf32>
      %get3A_1410 = arith.index_cast %add3A_1394 : i32 to index
      %get3A_1411 = arith.constant 32 : index
      %get3A_1412 = tpu.vector_load %arg13[%get3A_1410, %get3A_1411] {strides = array<i32>} : memref<512x64xf32, #tpu.memory_space<vmem>>, vector<16xf32>,
      %get3A_1413 = arith.index_cast %add3A_1394 : i32 to index
      %get3A_1414 = arith.constant 32 : index
      %get3A_1415 = tpu.vector_load %arg14[%get3A_1413, %get3A_1414] {strides = array<i32>} : memref<512x64xf32, #tpu.memory_space<vmem>>, vector<16xf32>,
      %mul3A_1416 = arith.mulf %get3A_1412, %get3A_1415 : vector<16xf32>
      %add3A_1417 = arith.addf %add3A_1409, %mul3A_1416 : vector<16xf32>
      %get3A_1418 = arith.index_cast %add3A_1394 : i32 to index
      %get3A_1419 = arith.constant 48 : index
      %get3A_1420 = tpu.vector_load %arg13[%get3A_1418, %get3A_1419] {strides = array<i32>} : memref<512x64xf32, #tpu.memory_space<vmem>>, vector<16xf32>,
      %get3A_1421 = arith.index_cast %add3A_1394 : i32 to index
      %get3A_1422 = arith.constant 48 : index
      %get3A_1423 = tpu.vector_load %arg14[%get3A_1421, %get3A_1422] {strides = array<i32>} : memref<512x64xf32, #tpu.memory_space<vmem>>, vector<16xf32>,
      %mul3A_1424 = arith.mulf %get3A_1420, %get3A_1423 : vector<16xf32>
      %add3A_1425 = arith.addf %add3A_1417, %mul3A_1424 : vector<16xf32>
      %eq3A_1426 = arith.constant 14 : i32
      %eq3A_1427 = vector.broadcast %eq3A_1426 : i32 to vector<16xi32>
      %eq3A_1428 = arith.cmpi eq, %iota3A, %eq3A_1427 : vector<16xi32>
      %gather3A_1429 = vector.shape_cast %reshape3A : vector<16x1xi32> to vector<16xi32>
      %gather3A_1430 = tpu.dynamic_gather %add3A_1425[%gather3A_1429] in [0] : vector<16xf32>, vector<16xi32> -> vector<16xf32>
      %add3A_1431 = arith.addf %add3A_1425, %gather3A_1430 : vector<16xf32>
      %gather3A_1432 = vector.shape_cast %reshape3A_18 : vector<16x1xi32> to vector<16xi32>
      %gather3A_1433 = tpu.dynamic_gather %add3A_1431[%gather3A_1432] in [0] : vector<16xf32>, vector<16xi32> -> vector<16xf32>
      %add3A_1434 = arith.addf %add3A_1431, %gather3A_1433 : vector<16xf32>
      %gather3A_1435 = vector.shape_cast %reshape3A_22 : vector<16x1xi32> to vector<16xi32>
      %gather3A_1436 = tpu.dynamic_gather %add3A_1434[%gather3A_1435] in [0] : vector<16xf32>, vector<16xi32> -> vector<16xf32>
      %add3A_1437 = arith.addf %add3A_1434, %gather3A_1436 : vector<16xf32>
      %gather3A_1438 = vector.shape_cast %reshape3A_26 : vector<16x1xi32> to vector<16xi32>
      %gather3A_1439 = tpu.dynamic_gather %add3A_1437[%gather3A_1438] in [0] : vector<16xf32>, vector<16xi32> -> vector<16xf32>
      %add3A_1440 = arith.addf %add3A_1437, %gather3A_1439 : vector<16xf32>
      %add3A_1441 = arith.addf %add3A_1440, %select_n3A_1392 : vector<16xf32>
      %select_n3A_1442 = arith.select %eq3A_1428, %add3A_1441, %select_n3A_1392 : vector<16xi1>, vector<16xf32>
      %add3A_1443 = arith.constant 15 : i32
      %add3A_1444 = arith.addi %mul3A_692, %add3A_1443 : i32
      %get3A_1445 = arith.index_cast %add3A_1444 : i32 to index
      %get3A_1446 = arith.constant 0 : index
      %get3A_1447 = tpu.vector_load %arg13[%get3A_1445, %get3A_1446] {strides = array<i32>} : memref<512x64xf32, #tpu.memory_space<vmem>>, vector<16xf32>,
      %get3A_1448 = arith.index_cast %add3A_1444 : i32 to index
      %get3A_1449 = arith.constant 0 : index
      %get3A_1450 = tpu.vector_load %arg14[%get3A_1448, %get3A_1449] {strides = array<i32>} : memref<512x64xf32, #tpu.memory_space<vmem>>, vector<16xf32>,
      %mul3A_1451 = arith.mulf %get3A_1447, %get3A_1450 : vector<16xf32>
      %get3A_1452 = arith.index_cast %add3A_1444 : i32 to index
      %get3A_1453 = arith.constant 16 : index
      %get3A_1454 = tpu.vector_load %arg13[%get3A_1452, %get3A_1453] {strides = array<i32>} : memref<512x64xf32, #tpu.memory_space<vmem>>, vector<16xf32>,
      %get3A_1455 = arith.index_cast %add3A_1444 : i32 to index
      %get3A_1456 = arith.constant 16 : index
      %get3A_1457 = tpu.vector_load %arg14[%get3A_1455, %get3A_1456] {strides = array<i32>} : memref<512x64xf32, #tpu.memory_space<vmem>>, vector<16xf32>,
      %mul3A_1458 = arith.mulf %get3A_1454, %get3A_1457 : vector<16xf32>
      %add3A_1459 = arith.addf %mul3A_1451, %mul3A_1458 : vector<16xf32>
      %get3A_1460 = arith.index_cast %add3A_1444 : i32 to index
      %get3A_1461 = arith.constant 32 : index
      %get3A_1462 = tpu.vector_load %arg13[%get3A_1460, %get3A_1461] {strides = array<i32>} : memref<512x64xf32, #tpu.memory_space<vmem>>, vector<16xf32>,
      %get3A_1463 = arith.index_cast %add3A_1444 : i32 to index
      %get3A_1464 = arith.constant 32 : index
      %get3A_1465 = tpu.vector_load %arg14[%get3A_1463, %get3A_1464] {strides = array<i32>} : memref<512x64xf32, #tpu.memory_space<vmem>>, vector<16xf32>,
      %mul3A_1466 = arith.mulf %get3A_1462, %get3A_1465 : vector<16xf32>
      %add3A_1467 = arith.addf %add3A_1459, %mul3A_1466 : vector<16xf32>
      %get3A_1468 = arith.index_cast %add3A_1444 : i32 to index
      %get3A_1469 = arith.constant 48 : index
      %get3A_1470 = tpu.vector_load %arg13[%get3A_1468, %get3A_1469] {strides = array<i32>} : memref<512x64xf32, #tpu.memory_space<vmem>>, vector<16xf32>,
      %get3A_1471 = arith.index_cast %add3A_1444 : i32 to index
      %get3A_1472 = arith.constant 48 : index
      %get3A_1473 = tpu.vector_load %arg14[%get3A_1471, %get3A_1472] {strides = array<i32>} : memref<512x64xf32, #tpu.memory_space<vmem>>, vector<16xf32>,
      %mul3A_1474 = arith.mulf %get3A_1470, %get3A_1473 : vector<16xf32>
      %add3A_1475 = arith.addf %add3A_1467, %mul3A_1474 : vector<16xf32>
      %eq3A_1476 = arith.constant 15 : i32
      %eq3A_1477 = vector.broadcast %eq3A_1476 : i32 to vector<16xi32>
      %eq3A_1478 = arith.cmpi eq, %iota3A, %eq3A_1477 : vector<16xi32>
      %gather3A_1479 = vector.shape_cast %reshape3A : vector<16x1xi32> to vector<16xi32>
      %gather3A_1480 = tpu.dynamic_gather %add3A_1475[%gather3A_1479] in [0] : vector<16xf32>, vector<16xi32> -> vector<16xf32>
      %add3A_1481 = arith.addf %add3A_1475, %gather3A_1480 : vector<16xf32>
      %gather3A_1482 = vector.shape_cast %reshape3A_18 : vector<16x1xi32> to vector<16xi32>
      %gather3A_1483 = tpu.dynamic_gather %add3A_1481[%gather3A_1482] in [0] : vector<16xf32>, vector<16xi32> -> vector<16xf32>
      %add3A_1484 = arith.addf %add3A_1481, %gather3A_1483 : vector<16xf32>
      %gather3A_1485 = vector.shape_cast %reshape3A_22 : vector<16x1xi32> to vector<16xi32>
      %gather3A_1486 = tpu.dynamic_gather %add3A_1484[%gather3A_1485] in [0] : vector<16xf32>, vector<16xi32> -> vector<16xf32>
      %add3A_1487 = arith.addf %add3A_1484, %gather3A_1486 : vector<16xf32>
      %gather3A_1488 = vector.shape_cast %reshape3A_26 : vector<16x1xi32> to vector<16xi32>
      %gather3A_1489 = tpu.dynamic_gather %add3A_1487[%gather3A_1488] in [0] : vector<16xf32>, vector<16xi32> -> vector<16xf32>
      %add3A_1490 = arith.addf %add3A_1487, %gather3A_1489 : vector<16xf32>
      %add3A_1491 = arith.addf %add3A_1490, %select_n3A_1442 : vector<16xf32>
      %select_n3A_1492 = arith.select %eq3A_1478, %add3A_1491, %select_n3A_1442 : vector<16xi1>, vector<16xf32>
      %swap3A_1493 = arith.index_cast %mul3A_692 : i32 to index
      %swap3A_1494 = tpu.vector_load %arg18[%swap3A_1493] {strides = array<i32>} : memref<512xf32, #tpu.memory_space<vmem>>, vector<16xf32>,
      tpu.vector_store %arg18[%swap3A_1493], %select_n3A_1492 {strides = array<i32>} : memref<512xf32, #tpu.memory_space<vmem>>, vector<16xf32>,
    }
    %scan3A_689 = arith.constant 32 : i32
    "tpu.region"() ({
      %run_scoped3A = tpu.sem_alloc : memref<!tpu.dma_semaphore, #tpu.memory_space<semaphore_mem>>
      %dma_start3A_690 = tpu.memref_slice %arg8[%mul3A_2] : memref<16384xf32, #tpu.memory_space<hbm>> -> memref<512xf32, #tpu.memory_space<hbm>>
      %dma_start3A_691 = tpu.memref_slice %arg8[%mul3A_2] : memref<16384xf32, #tpu.memory_space<hbm>> -> memref<512xf32, #tpu.memory_space<hbm>>
      tpu.enqueue_dma source(%arg18 : memref<512xf32, #tpu.memory_space<vmem>>) target(%dma_start3A_691 : memref<512xf32, #tpu.memory_space<hbm>>) target_semaphore(%run_scoped3A : memref<!tpu.dma_semaphore, #tpu.memory_space<semaphore_mem>>)
      %dma_wait3A_692 = tpu.memref_slice %arg8[%mul3A_2] : memref<16384xf32, #tpu.memory_space<hbm>> -> memref<512xf32, #tpu.memory_space<hbm>>
      %dma_wait3A_693 = tpu.memref_slice %arg8[%mul3A_2] : memref<16384xf32, #tpu.memory_space<hbm>> -> memref<512xf32, #tpu.memory_space<hbm>>
      tpu.wait_dma2 semaphore(%run_scoped3A : memref<!tpu.dma_semaphore, #tpu.memory_space<semaphore_mem>>) src(%arg18 : memref<512xf32, #tpu.memory_space<vmem>>) dst(%dma_wait3A_693 : memref<512xf32, #tpu.memory_space<hbm>>)
      tpu.yield
    }) : () -> ()
    return
  }
}

</mosaic_0001>

<sc_bundles>
// kernel: kernel.3.cloned.1.call-start
scs
__scs_entry_jumppad:
0x0: {  	(pc) =	sbr.rel $0x88, $3  }
0x1: {  	(tag) =	ssettag $0x0;
	lr =	simm.s32 $0x1  }
0x2: {  	[smem:$0x3F9C] =	sst lr;
	_ =	strace $0xD0000000  }
0x3: {  	_ = 	snop  }
0x4: {  	_ = 	snop  }
0x5: {  	_ = 	snop  }
0x6: {  	_ = 	snop  }
0x7: {  	_ = 	snop  }
__scs_overlays_trampoline_lowered:
0x8: {  	[smem:$0x3FAB] =	sst s0  }
0x9: {  	[smem:$0x3FAC] =	sst s1  }
0xa: {  	[smem:$0x3FAD] =	sst s2  }
0xb: {  	[smem:$0x3FAE] =	sst s3  }
0xc: {  	[smem:$0x3FAF] =	sst s4  }
0xd: {  	[smem:$0x3FB0] =	sst s5  }
0xe: {  	[smem:$0x3FB1] =	sst s6  }
0xf: {  	[smem:$0x3FB2] =	sst s7  }
0x10: {  	[smem:$0x3FB3] =	sst s8  }
0x11: {  	[smem:$0x3FB4] =	sst s9;
	s0 =	simm.s32 @!p0 $0x0  }
0x12: {  	s1 =	sld [smem:$0x3F9A];
	s0 =	simm.s32 @p0 $0x1  }
0x13: {  	[smem:$0x3FB5] =	sst s0;
	s0 =	simm.s32 @!p1 $0x0  }
0x14: {  	s2 =	sld [smem:$0x3F99];
	s0 =	simm.s32 @p1 $0x1  }
0x15: {  	[smem:$0x3FB6] =	sst s0;
	s0 =	simm.s32 @!p2 $0x0  }
0x16: {  	s3 =	sld [smem:$0x3FDB];
	s0 =	simm.s32 @p2 $0x1  }
0x17: {  	s4 =	simm.s32 $0x1BF5;
	[smem:$0x3FB8] =	sst s0  }
0x18: {  	s0 =	sld [smem:$0x3F9B];
	_ =	swait.ge [sflag:s4], $0x0  }
0x19: {  	s7 =	sld [smem:$0x3F9C]  }
0x1a: {  	s8 =	sadd.s32 $0xFFFFE003, lr  }
0x1b: {  	s9 =	sadd.s32 $0xFFFFFEF7, lr;
	s5 =	simm.s32 $0xFFFFFFFF;
	p2 =	slt.u32 s8, $0xFFFFF086  }
0x1c: {  	p1 =	slt.u32 s9, $0xF7A;
	s5 =	simm.s32 @!p2 $0x0  }
0x1d: {  	s5 =	simm.s32 @p1 $0x1;
	p0 =	seq.s32 s7, s2  }
0x1e: {  	s7 =	smul.u32 @!p0 $0xF7A, s2;
	p2 =	seq.s32 @!p0 s5, $0x0  }
0x1f: {  	s9 =	smul.u32 $0xF7A, s1;
	s8 =	simm.s32 @!p0 $0x1BF5;
	p2 =	por !p2, p0  }
0x20: {  	[sflag:s8] =	ssyncset.s32 @!p0 $0xFFFFF086;
	s6 =	sadd.s32 @!p0 s3, s7;
	s7 =	simm.s32 @!p0 $0x108  }
0x21: {  	s3 =	sadd.s32 s3, s9;
	s6 =	sadd.s32 @!p0 $0x88, s6;
	s7 =	simm.s32 @p2 $0x1082  }
0x22: {  	[simem:s7], [sflag:s8] =	dma.local @!p0 [hbm:s6], $0xF7A  }
0x23: {  	s9 =	sor.u32 $0xD0000000, s2;
	s6 =	simm.s32 $0x108;
	_ =	swait.ge @!p0 [sflag:s8], $0x0  }
0x24: {  	s3 =	sadd.s32 $0x88, s3;
	s6 =	simm.s32 @!p1 $0x1082;
	[sflag:s4] =	ssyncset.s32 $0xFFFFF086  }
0x25: {  	[simem:s6], [sflag:s4] =	dma.local [hbm:s3], $0xF7A  }
0x26: {  	[smem:$0x3F9C] =	sst s1;
	(tag) =	ssettag s2;
	_ =	strace s9  }
0x27: {  	s1 =	sld [smem:$0x3FAC]  }
0x28: {  	s2 =	sld [smem:$0x3FAD]  }
0x29: {  	s4 =	sld [smem:$0x3FAF]  }
0x2a: {  	p0 =	seq.s32 s5, $0x0;
	s5 =	sld [smem:$0x3FB0]  }
0x2b: {  	s6 =	sld [smem:$0x3FB1]  }
0x2c: {  	s7 =	sld [smem:$0x3FB2]  }
0x2d: {  	s3 =	simm.s32 $0x108;
	s8 =	sld [smem:$0x3FB3]  }
0x2e: {  	s3 =	simm.s32 @!p0 $0x1082;
	s9 =	sld [smem:$0x3FB4]  }
0x2f: {  	lr =	sadd.s32 s0, s3;
	s0 =	sld [smem:$0x3FAB]  }
0x30: {  	s3 =	sld [smem:$0x3FAE]  }
0x31: {  	[smem:$0x3FB7] =	sst s10  }
0x32: {  	s10 =	sld [smem:$0x3FB5];
	_ =	sdelay $0x3  }
0x33: {  	p0 =	seq.s32 s10, $0x1;
	s10 =	sld [smem:$0x3FB7];
	_ =	sdelay $0x3  }
0x34: {  	[smem:$0x3FB7] =	sst s10  }
0x35: {  	s10 =	sld [smem:$0x3FB6];
	_ =	sdelay $0x3  }
0x36: {  	p1 =	seq.s32 s10, $0x1;
	s10 =	sld [smem:$0x3FB7];
	_ =	sdelay $0x3  }
0x37: {  	[smem:$0x3FB7] =	sst s10  }
0x38: {  	s10 =	sld [smem:$0x3FB8]  }
0x39: {  	_ = 	snop;
	(pc) =	sbr.ind lr, $3  }
0x3a: {  	_ = 	snop  }
0x3b: {  	_ = 	snop  }
0x3c: {  	p2 =	seq.s32 s10, $0x1;
	s10 =	sld [smem:$0x3FB7]  }
0x3d: {  	_ =	shalt  }
0x3e: {  	_ =	shalt  }
0x3f: {  	_ =	shalt  }
0x40: {  	_ =	shalt  }
0x41: {  	_ =	shalt  }
0x42: {  	_ =	shalt  }
0x43: {  	_ =	shalt  }
0x44: {  	_ =	shalt  }
0x45: {  	_ =	shalt  }
0x46: {  	_ =	shalt  }
0x47: {  	_ =	shalt  }
0x48: {  	_ =	shalt  }
0x49: {  	_ =	shalt  }
0x4a: {  	_ =	shalt  }
0x4b: {  	_ =	shalt  }
0x4c: {  	_ =	shalt  }
0x4d: {  	_ =	shalt  }
0x4e: {  	_ =	shalt  }
0x4f: {  	_ =	shalt  }
0x50: {  	_ =	shalt  }
0x51: {  	_ =	shalt  }
0x52: {  	_ =	shalt  }
0x53: {  	_ =	shalt  }
0x54: {  	_ =	shalt  }
0x55: {  	_ =	shalt  }
0x56: {  	_ =	shalt  }
0x57: {  	_ =	shalt  }
0x58: {  	_ =	shalt  }
0x59: {  	_ =	shalt  }
0x5a: {  	_ =	shalt  }
0x5b: {  	_ =	shalt  }
0x5c: {  	_ =	shalt  }
0x5d: {  	_ =	shalt  }
0x5e: {  	_ =	shalt  }
0x5f: {  	_ =	shalt  }
0x60: {  	_ =	shalt  }
0x61: {  	_ =	shalt  }
0x62: {  	_ =	shalt  }
0x63: {  	_ =	shalt  }
0x64: {  	_ =	shalt  }
0x65: {  	_ =	shalt  }
0x66: {  	_ =	shalt  }
0x67: {  	_ =	shalt  }
0x68: {  	_ =	shalt  }
0x69: {  	_ =	shalt  }
0x6a: {  	_ =	shalt  }
0x6b: {  	_ =	shalt  }
0x6c: {  	_ =	shalt  }
0x6d: {  	_ =	shalt  }
0x6e: {  	_ =	shalt  }
0x6f: {  	_ =	shalt  }
0x70: {  	_ =	shalt  }
0x71: {  	_ =	shalt  }
0x72: {  	_ =	shalt  }
0x73: {  	_ =	shalt  }
0x74: {  	_ =	shalt  }
0x75: {  	_ =	shalt  }
0x76: {  	_ =	shalt  }
0x77: {  	_ =	shalt  }
0x78: {  	_ =	shalt  }
0x79: {  	_ =	shalt  }
0x7a: {  	_ =	shalt  }
0x7b: {  	_ =	shalt  }
0x7c: {  	_ =	shalt  }
0x7d: {  	_ =	shalt  }
0x7e: {  	_ =	shalt  }
0x7f: {  	_ =	shalt  }
0x80: {  	_ =	shalt  }
0x81: {  	_ =	shalt  }
0x82: {  	_ =	shalt  }
0x83: {  	_ =	shalt  }
0x84: {  	_ =	shalt  }
0x85: {  	_ =	shalt  }
0x86: {  	_ =	shalt  }
0x87: {  	_ =	shalt  }
.Lfunc_end0:
.L_simem_size_0:
called_computation_lowered:
.L_overlay_start_0:
0x88: {  	s2 =	sld [smem:$0x3FD9]  }
0x89: {  	s3 =	sld [smem:$0x3FFE];
	_ =	sdelay $0x1  }
0x8a: {  	s1 =	srdreg.scid  }
0x8b: {  	s0 =	sand.u32 $0x1, s1  }
0x8c: {  	s17 =	sshll.u32 s0, $0xA;
	s2 =	sadd.s32 s3, s2  }
0x8d: {  	s2 =	sadd.s32 s2, s17  }
0x8e: {  	[smem:$0x3FC3] =	sst s2  }
0x8f: {  	_ = 	snop  }
0x90: {  	s2 =	sld [smem:$0x3FD0];
	(tm) =	ssettm $0x1  }
0x91: {  	s18 =	sld [smem:$0x3FFB];
	_ =	sdelay $0x3  }
0x92: {  	_ =	strace s18  }
0x93: {  	s3 =	sld [smem:$0x3FFC];
	_ =	sdelay $0x3  }
0x94: {  	_ =	strace s3  }
0x95: {  	s3 =	sld [smem:$0x3FFD];
	_ =	sdelay $0x3  }
0x96: {  	_ =	strace s3  }
0x97: {  	_ =	strace $0x8FFFFFFF  }
0x98: {  	s19 =	sld [smem:$0x3FDB];
	_ =	sdelay $0x1  }
0x99: {  	s4 =	simm.s32 $_scs_section_size  }
0x9a: {  	s5 =	simm.s32 $_size__tile_overlayer_lowered;
	s6 =	simm.s32 $_tile_overlayer_lowered  }
0x9b: {  	s22 =	simm.s32 $0x1BFF;
	s21 =	sshll.u32 s6, $0x1;
	s3 =	sadd.s32 s4, s19  }
0x9c: {  	s7 =	simm.s32 $0x0;
	s20 =	sshll.u32 s5, $0x1;
	s5 =	sadd.s32 s21, s3  }
0x9d: {  	[timem:s7], [sflag:s22] =	dma.local [hbm:s5], s20  }
0x9e: {  	_ =	swait.ge [sflag:s22], s20  }
0x9f: {  	s4 =	ssub.s32 $0x0, s20;
	[sflag:s22] =	ssyncset.done $0x0  }
0xa0: {  	[sflag:s22] =	ssyncadd.s32 s4;
	_ =	sdelay $0x1  }
0xa1: {  	s23 =	simm.s32 $0x1B8B  }
0xa2: {  	_ =	swait.ge [sflag:s23], $0x1  }
0xa3: {  	[sflag:s23] =	ssyncset.done $0x0  }
0xa4: {  	s25 =	simm.s32 $0x1B8E;
	s24 =	sld [smem:$0x3FFE];
	[sflag:s23] =	ssyncadd.s32 $0xFFFFFFFF  }
0xa5: {  	s26 =	simm.s32 $execute0_lowered;
	[smem:$0x3FD2] =	sst s25  }
0xa6: {  	s5 =	sshll.u32 s26, $0x1;
	_ =	strace $0x80000046;
	[dreg:$0x1] =	wrdreg $0xFFFFFFFF  }
0xa7: {  	s28 =	simm.s32 $_size_execute0_lowered;
	s3 =	sadd.s32 s3, s5;
	[dreg:$0x0] =	wrdreg $0x0  }
0xa8: {  	s5 =	sshll.u32 s28, $0x1;
	[dreg:$0x2] =	wrdreg s3  }
0xa9: {  	[dreg:$0x3] =	wrdreg s5  }
0xaa: {  	[dreg:$0x4] =	wrdreg $0xC0  }
0xab: {  	_ =	task [dreg:s7], $0x5FFFF  }
0xac: {  	[dreg:$0x1] =	wrdreg $0xFFFFFFFF  }
0xad: {  	[dreg:$0x0] =	wrdreg $0x60  }
0xae: {  	[dreg:$0x2] =	wrdreg s24  }
0xaf: {  	[dreg:$0x3] =	wrdreg s2  }
0xb0: {  	[dreg:$0x4] =	wrdreg $0x9  }
0xb1: {  	_ =	task.clear_ibuf [dreg:s7], $0x5FFFF;
	_ =	strace $0x90000046  }
0xb2: {  	s29 =	simm.s32 $0x9;
	_ =	strace $0x80000048  }
0xb3: {  	_ =	swait.ge [sflag:s29], $0x1  }
0xb4: {  	[sflag:s29] =	ssyncadd.s32 $0xFFFFFFFF  }
0xb5: {  	_ =	strace $0x90000048  }
0xb6: {  	_ =	sfence  }
0xb7: {  	s30 =	sld [smem:$0x0];
	_ =	sdelay $0x2  }
0xb8: {  	s31 =	sshll.u32 s1, $0xD;
	s1 =	sshrl.u32 s1, $0x2  }
0xb9: {  	s3 =	sand.u32 $0x4000, s31;
	s1 =	sadd.s32 s1, s30  }
0xba: {  	s0 =	sor.u32 s3, s0;
	s1 =	sshll.u32 s1, $0x11  }
0xbb: {  	s0 =	sor.u32 s1, s0  }
0xbc: {  	s0 =	sadd.s32 $0x8F2B, s0  }
0xbd: {  	[sflag:s0] =	ssyncadd.remote.s32 $0x1  }
0xbe: {  	_ =	sfence.sel $0xFFFF  }
0xbf: {  	[dreg:$0x0] =	wrdreg $0xFFFFFFFF;
	(pc) =	sbr.abs _section_cstart, $3  }
0xc0: {  	[dreg:$0x1] =	wrdreg $0xFFFFFFFF  }
0xc1: {  	_ =	task.clear_ibuf [dreg:s7], $0x2FFFF;
	_ =	strace $0x9FFFFFFF  }
0xc2: {  	(tm) =	ssettm $0x7FFFFFFF  }
0xc3: {  	_ =	shalt  }
tec
execute0_lowered:
.L_overlay_start_1:
0x0: {  	(tag) =	ssettag $0x1  }
0x1: {  	v0 =	vlaneseq.u32;
	v1 =	vimm.s32 $0xEFCDAB89;
	v2 =	vimm.s32 $0x67452301  }
0x2: {  	v5 =	vimm.s32 $0xDCFE98BA;
	v10 =	vimm.s32 $0x32107654;
	v11 =	vimm.s32 $0xFEDCBA98  }
0x3: {  	v12 =	vimm.s32 $0x76543210;
	vm0 =	vmmov $0x1;
	vm1 =	vcmask $0x30C  }
0x4: {  	vm2 =	vcmask $0xF0C;
	vm3 =	vcmask $0x714;
	vm4 =	vcmask $0xF18  }
0x5: {  	vm5 =	vcmask $0x131C;
	vm6 =	vcmask $0x1F1C;
	vm7 =	vcmask $0x1724  }
0x6: {  	vm8 =	vcmask $0x1F28;
	vm9 =	vcmask $0x232C;
	vm10 =	vcmask $0x2F2C  }
0x7: {  	s0 =	rddreg [dreg:$0x0];
	vm11 =	vcmask $0x2734;
	vm12 =	vcmask $0x2F38;
	vm13 =	vcmask $0x333C  }
0x8: {  	s1 =	rddreg [dreg:$0x1];
	vm14 =	vmmov $0x3fff;
	vm15 =	vmmov $0x7fff;
	v0 =	vmul.u32 $0x10, v0  }
0x9: {  	s3 =	srdreg.scid;
	s2 =	simm.s32 $0x0;
	s5 =	stileid.u32;
	v3 =	vunpack.c.l.s4.s8 v1;
	v4 =	vunpack.c.l.s4.s8 v2;
	v8 =	vunpack.c.l.s4.s8 v5  }
0xa: {  	s11 =	simm.s32 $0x5;
	s12 =	simm.s32 $0x200;
	s15 =	simm.s32 $0x80;
	v10 =	vunpack.c.l.s4.s8 v10;
	v11 =	vunpack.c.l.s4.s8 v11;
	v12 =	vunpack.c.l.s4.s8 v12  }
0xb: {  	s17 =	simm.s32 $0x10800;
	s18 =	simm.s32 $0x600;
	s19 =	simm.s32 $0x11000;
	vm2 =	vmor vm3, vm2;
	v6 =	vunpack.c.0.s8.s32 v3;
	v7 =	vunpack.c.0.s8.s32 v4  }
0xc: {  	s20 =	simm.s32 $0x3;
	s21 =	simm.s32 $0x4;
	s22 =	simm.s32 $0x480;
	vm3 =	vcmask $0xB14;
	vm6 =	vmor vm7, vm6;
	vm7 =	vcmask $0x1B24  }
0xd: {  	s23 =	simm.s32 $0x680;
	s28 =	simm.s32 $0x780;
	s29 =	simm.s32 $0x1;
	vm10 =	vmor vm11, vm10;
	vm11 =	vcmask $0x2B34;
	v9 =	vcombine.low v7, v6  }
0xe: {  	s30 =	simm.s32 $0x2;
	s31 =	simm.s32 $0x11A00;
	s4 =	sand.u32 $0x1, s3;
	v6 =	vunpack.c.0.s8.s32 v8;
	v7 =	vimm.s32 $0x54761032;
	v8 =	vimm.s32 $0xBA98FEDC  }
0xf: {  	[smem:$0x7FF] =	sst s2;
	s24 =	sshll.u32 s5, $0x7;
	s3 =	sadd.s32 $0x24CC00, s0;
	v1 =	vor.u32 $0x100, v0;
	v7 =	vunpack.c.l.s4.s8 v7;
	v8 =	vunpack.c.l.s4.s8 v8  }
0x10: {  	s5 =	sadd.s32 $0x5E00, s0;
	s6 =	sadd.s32 $0x2C00, s0;
	s25 =	sshll.u32 s4, $0x6;
	v10 =	vunpack.c.0.s8.s32 v10;
	v11 =	vunpack.c.0.s8.s32 v11;
	[tilespmem:$0x1FFB0] =	vst v1;
	v1 =	vor.u32 $0x200, v0  }
0x11: {  	s7 =	ssub.s32 $0x2, s4;
	s4 =	sadd.s32 $0x189600, s0;
	s9 =	sor.u32 s25, s24;
	[tilespmem:$0x1FFC0] =	vst v1;
	v1 =	vor.u32 $0x300, v0;
	v7 =	vunpack.c.0.s8.s32 v7;
	v8 =	vunpack.c.0.s8.s32 v8  }
0x12: {  	s10 =	sshrl.u32 s7, $0x1;
	v12 =	vunpack.c.0.s8.s32 v12;
	s24 =	simm.s32 $0x500;
	s25 =	simm.s32 $0x700;
	v11 =	vand.u32 $0xF, v11;
	[tilespmem:$0x1FFD0] =	vst v1;
	v1 =	vor.u32 $0x400, v0  }
0x13: {  	s8 =	sadd.s32 s9, s0;
	s26 =	ssub.s32 s7, s10;
	s9 =	sadd.s32 s1, s9;
	[tilespmem:$0x1FFE0] =	vst v1;
	v1 =	vor.u32 $0x500, v0;
	v13 =	vcombine.low v7, v6;
	v10 =	vcombine.low v10, v8  }
0x14: {  	s0 =	simm.s32 $0x0;
	s7 =	sadd.s32 $0x2400, s8;
	s8 =	sadd.s32 $0x1C00, s8;
	v11 =	vcombine.low v11, v12;
	[tilespmem:$0x1FFF0] =	vst v1;
	v6 =	vor.u32 $0x600, v0;
	v7 =	vor.u32 $0x700, v0  }
0x15: {  	s10 =	smax.u32 s26, $0x1;
	s26 =	simm.s32 $0x580;
	_ =	strace $0x80000047;
	v8 =	vand.u32 $0xF, v9;
	v9 =	vand.u32 $0xF, v13;
	v10 =	vand.u32 $0xF, v10  }
.LBB2_1:
0x16: {  	[tilespmem:s2], [sflag:$0x5] =	stream.linear.gather [hbm4b:s7+s2], $0x200, $0x38;
	[tilespmem:$0x11C00] =	vst v63  }
0x17: {  	_ =	swait.ge [sflag:s11], $0x200  }
0x18: {  	[sflag:s11] =	ssyncset.done $0x0  }
0x19: {  	[sflag:s11] =	ssyncadd.s32 $0xFFFFFE00  }
0x1a: {  	[tilespmem:s12], [sflag:$0x5] =	stream.linear.gather [hbm4b:s8+s2], $0x200, $0x38;
	[tilespmem:$0x11C00] =	vst v63  }
0x1b: {  	_ =	swait.ge [sflag:s11], $0x200  }
0x1c: {  	[sflag:s11] =	ssyncset.done $0x0  }
0x1d: {  	s1 =	simm.s32 $0x0;
	[sflag:s11] =	ssyncadd.s32 $0xFFFFFE00  }
0x1e: {  	v12 =	vld [tilespmem:s1+$0x200]  }
0x1f: {  	s13 =	simm.s32 $0x40;
	v13 =	vld [tilespmem:s1+$0x0]  }
.LBB2_2:
0x20: {  	p0 =	sne.s32 s13, $0x7C0  }
.Ltmp0:
0x21: {  	_ = 	snop;
	(pc) =	sbr.rel @p0 .LBB2_2-.Ltmp0, $4  }
0x22: {  	_ = 	snop  }
0x23: {  	s14 =	sshra.s32 s13, $0x2;
	s13 =	sadd.s32 $0x40, s13;
	v14 =	vshrl.u32 v12, $0x4  }
0x24: {  	v12 =	vld [tilespmem:s14+$0x200];
	v15 =	vshrl.u32 v13, $0x4;
	[tilespmem:s1+$0x600] =	vst v14  }
0x25: {  	v13 =	vld [tilespmem:s14+$0x0];
	[tilespmem:s1+$0x400] =	vst v15;
	s1 =	smov.u32 s14  }
0x26: {  	_ =	sdelay $0x2  }
0x27: {  	v12 =	vshrl.u32 v12, $0x4  }
0x28: {  	v13 =	vshrl.u32 v13, $0x4;
	[tilespmem:s1+$0x600] =	vst v12  }
0x29: {  	s13 =	simm.s32 $0x800;
	[tilespmem:s1+$0x400] =	vst v13;
	s1 =	simm.s32 $0x0  }
0x2a: {  	[tilespmem:s13], [sflag:$0x1] =	stream.indirect.gather [hbm4b:s3+s12], $0x40, s1, s12, $0xb8;
	[tilespmem:$0x11C00] =	vst v63  }
0x2b: {  	s14 =	simm.s32 $0x8800  }
0x2c: {  	[tilespmem:s14], [sflag:$0x2] =	stream.indirect.gather [hbm4b:s4+s12], $0x40, s12, s12, $0xb8;
	[tilespmem:$0x11C00] =	vst v63  }
0x2d: {  	s16 =	simm.s32 $0x400  }
0x2e: {  	[tilespmem:s17], [sflag:$0x3] =	stream.indirect.gather [hbm4b:s5+s15], $0x10, s16, s15, $0xb8;
	[tilespmem:$0x11C00] =	vst v63  }
0x2f: {  	_ = 	snop  }
0x30: {  	[tilespmem:s19], [sflag:$0x4] =	stream.indirect.gather [hbm4b:s6+s15], $0x10, s18, s15, $0xb8;
	[tilespmem:$0x11C00] =	vst v63  }
0x31: {  	_ =	swait.ge [sflag:s20], $0x800  }
0x32: {  	[sflag:s20] =	ssyncset.done $0x0  }
0x33: {  	[sflag:s20] =	ssyncadd.s32 $0xFFFFF800  }
0x34: {  	_ =	swait.ge [sflag:s21], $0x800  }
0x35: {  	[sflag:s21] =	ssyncset.done $0x0  }
0x36: {  	[sflag:s21] =	ssyncadd.s32 $0xFFFFF800  }
0x37: {  	v44 =	vld [tilespmem:$0x0]  }
0x38: {  	v45 =	vld [tilespmem:$0x200];
	_ =	sdelay $0x3  }
0x39: {  	v12 =	vand.u32 $0xF, v44  }
0x3a: {  	v13 =	vand.u32 $0xF, v45;
	v12 =	vor.u32 v0, v12  }
0x3b: {  	v13 =	vor.u32 v0, v13  }
0x3c: {  	v1 =	vld [tilespmem:$0x1FFB0]  }
0x3d: {  	v14 =	vld [tilespmem:$0x10]  }
0x3e: {  	v15 =	vld [tilespmem:$0x210]  }
0x3f: {  	v12 =	vld.idx.msk [tilespmem:v12+s17+$0x0], $0xffff  }
0x40: {  	v13 =	vld.idx.msk [tilespmem:v13+s19+$0x0], $0xffff;
	_ =	sdelay $0x1  }
0x41: {  	v14 =	vand.u32 $0xF, v14  }
0x42: {  	v15 =	vand.u32 $0xF, v15;
	v14 =	vor.u32 v1, v14  }
0x43: {  	v15 =	vor.u32 v1, v15  }
0x44: {  	v2 =	vld [tilespmem:$0x1FFC0];
	v12 =	vadd.f32 v13, v12  }
0x45: {  	v46 =	vld [tilespmem:$0x20]  }
0x46: {  	v47 =	vld [tilespmem:$0x220];
	[tilespmem:$0x11800] =	vst v12  }
0x47: {  	v14 =	vld.idx.msk [tilespmem:v14+s17+$0x0], $0xffff  }
0x48: {  	v15 =	vld.idx.msk [tilespmem:v15+s19+$0x0], $0xffff;
	_ =	sdelay $0x1  }
0x49: {  	v13 =	vand.u32 $0xF, v46  }
0x4a: {  	v13 =	vor.u32 v2, v13;
	v12 =	vand.u32 $0xF, v47  }
0x4b: {  	v12 =	vor.u32 v2, v12  }
0x4c: {  	v3 =	vld [tilespmem:$0x1FFD0];
	v14 =	vadd.f32 v15, v14  }
0x4d: {  	v48 =	vld [tilespmem:$0x30]  }
0x4e: {  	v49 =	vld [tilespmem:$0x230];
	[tilespmem:$0x11810] =	vst v14  }
0x4f: {  	v13 =	vld.idx.msk [tilespmem:v13+s17+$0x0], $0xffff  }
0x50: {  	v12 =	vld.idx.msk [tilespmem:v12+s19+$0x0], $0xffff;
	_ =	sdelay $0x1  }
0x51: {  	v15 =	vand.u32 $0xF, v48  }
0x52: {  	v15 =	vor.u32 v3, v15;
	v14 =	vand.u32 $0xF, v49  }
0x53: {  	v14 =	vor.u32 v3, v14  }
0x54: {  	v4 =	vld [tilespmem:$0x1FFE0];
	v12 =	vadd.f32 v12, v13  }
0x55: {  	v50 =	vld [tilespmem:$0x40]  }
0x56: {  	v51 =	vld [tilespmem:$0x240];
	[tilespmem:$0x11820] =	vst v12  }
0x57: {  	v15 =	vld.idx.msk [tilespmem:v15+s17+$0x0], $0xffff  }
0x58: {  	v14 =	vld.idx.msk [tilespmem:v14+s19+$0x0], $0xffff;
	_ =	sdelay $0x1  }
0x59: {  	v13 =	vand.u32 $0xF, v50  }
0x5a: {  	v13 =	vor.u32 v4, v13;
	v12 =	vand.u32 $0xF, v51  }
0x5b: {  	v12 =	vor.u32 v4, v12  }
0x5c: {  	v5 =	vld [tilespmem:$0x1FFF0];
	v14 =	vadd.f32 v14, v15  }
0x5d: {  	v52 =	vld [tilespmem:$0x50]  }
0x5e: {  	v53 =	vld [tilespmem:$0x250];
	[tilespmem:$0x11830] =	vst v14  }
0x5f: {  	v13 =	vld.idx.msk [tilespmem:v13+s17+$0x0], $0xffff  }
0x60: {  	v12 =	vld.idx.msk [tilespmem:v12+s19+$0x0], $0xffff;
	_ =	sdelay $0x1  }
0x61: {  	v15 =	vand.u32 $0xF, v52  }
0x62: {  	v15 =	vor.u32 v5, v15;
	v14 =	vand.u32 $0xF, v53  }
0x63: {  	v14 =	vor.u32 v5, v14  }
0x64: {  	v12 =	vadd.f32 v12, v13  }
0x65: {  	v54 =	vld [tilespmem:$0x60]  }
0x66: {  	v55 =	vld [tilespmem:$0x260];
	[tilespmem:$0x11840] =	vst v12  }
0x67: {  	v15 =	vld.idx.msk [tilespmem:v15+s17+$0x0], $0xffff  }
0x68: {  	v14 =	vld.idx.msk [tilespmem:v14+s19+$0x0], $0xffff;
	_ =	sdelay $0x1  }
0x69: {  	v13 =	vand.u32 $0xF, v54  }
0x6a: {  	v13 =	vor.u32 v6, v13;
	v12 =	vand.u32 $0xF, v55  }
0x6b: {  	v12 =	vor.u32 v6, v12  }
0x6c: {  	v14 =	vadd.f32 v14, v15  }
0x6d: {  	v56 =	vld [tilespmem:$0x70]  }
0x6e: {  	v57 =	vld [tilespmem:$0x270];
	[tilespmem:$0x11850] =	vst v14  }
0x6f: {  	v13 =	vld.idx.msk [tilespmem:v13+s17+$0x0], $0xffff  }
0x70: {  	v12 =	vld.idx.msk [tilespmem:v12+s19+$0x0], $0xffff;
	_ =	sdelay $0x1  }
0x71: {  	v15 =	vand.u32 $0xF, v56  }
0x72: {  	v15 =	vor.u32 v7, v15;
	v14 =	vand.u32 $0xF, v57  }
0x73: {  	v14 =	vor.u32 v7, v14  }
0x74: {  	v12 =	vadd.f32 v12, v13;
	_ =	sdelay $0x1  }
0x75: {  	[tilespmem:$0x11860] =	vst v12  }
0x76: {  	v12 =	vld.idx.msk [tilespmem:v15+s17+$0x0], $0xffff  }
0x77: {  	v58 =	vld.idx.msk [tilespmem:v14+s19+$0x0], $0xffff;
	_ =	sdelay $0x4  }
0x78: {  	v12 =	vadd.f32 v58, v12;
	_ =	sdelay $0x1  }
0x79: {  	[tilespmem:$0x11870] =	vst v12  }
0x7a: {  	[tilespmem:s17], [sflag:$0x3] =	stream.indirect.gather [hbm4b:s5+s15], $0x10, s22, s15, $0xb8;
	[tilespmem:$0x11C00] =	vst v63  }
0x7b: {  	_ = 	snop  }
0x7c: {  	[tilespmem:s19], [sflag:$0x4] =	stream.indirect.gather [hbm4b:s6+s15], $0x10, s23, s15, $0xb8;
	[tilespmem:$0x11C00] =	vst v63  }
0x7d: {  	_ =	swait.ge [sflag:s20], $0x800  }
0x7e: {  	[sflag:s20] =	ssyncset.done $0x0  }
0x7f: {  	[sflag:s20] =	ssyncadd.s32 $0xFFFFF800  }
0x80: {  	_ =	swait.ge [sflag:s21], $0x800  }
0x81: {  	[sflag:s21] =	ssyncset.done $0x0  }
0x82: {  	[sflag:s21] =	ssyncadd.s32 $0xFFFFF800  }
0x83: {  	v59 =	vld [tilespmem:$0x80]  }
0x84: {  	v60 =	vld [tilespmem:$0x280];
	_ =	sdelay $0x3  }
0x85: {  	v12 =	vand.u32 $0xF, v59  }
0x86: {  	v13 =	vand.u32 $0xF, v60;
	v12 =	vor.u32 v0, v12  }
0x87: {  	v13 =	vor.u32 v0, v13;
	_ =	sdelay $0x1  }
0x88: {  	v61 =	vld [tilespmem:$0x90]  }
0x89: {  	v62 =	vld [tilespmem:$0x290]  }
0x8a: {  	v12 =	vld.idx.msk [tilespmem:v12+s17+$0x0], $0xffff  }
0x8b: {  	v13 =	vld.idx.msk [tilespmem:v13+s19+$0x0], $0xffff;
	_ =	sdelay $0x1  }
0x8c: {  	v14 =	vand.u32 $0xF, v61  }
0x8d: {  	v15 =	vand.u32 $0xF, v62;
	v14 =	vor.u32 v1, v14  }
0x8e: {  	v15 =	vor.u32 v1, v15  }
0x8f: {  	v12 =	vadd.f32 v13, v12  }
0x90: {  	v63 =	vld [tilespmem:$0xA0]  }
0x91: {  	v18 =	vld [tilespmem:$0x2A0];
	[tilespmem:$0x11880] =	vst v12  }
0x92: {  	v14 =	vld.idx.msk [tilespmem:v14+s17+$0x0], $0xffff  }
0x93: {  	v15 =	vld.idx.msk [tilespmem:v15+s19+$0x0], $0xffff;
	_ =	sdelay $0x1  }
0x94: {  	v13 =	vand.u32 $0xF, v63  }
0x95: {  	v13 =	vor.u32 v2, v13;
	v12 =	vand.u32 $0xF, v18  }
0x96: {  	v12 =	vor.u32 v2, v12  }
0x97: {  	v14 =	vadd.f32 v15, v14  }
0x98: {  	v19 =	vld [tilespmem:$0xB0]  }
0x99: {  	v20 =	vld [tilespmem:$0x2B0];
	[tilespmem:$0x11890] =	vst v14  }
0x9a: {  	v13 =	vld.idx.msk [tilespmem:v13+s17+$0x0], $0xffff  }
0x9b: {  	v12 =	vld.idx.msk [tilespmem:v12+s19+$0x0], $0xffff;
	_ =	sdelay $0x1  }
0x9c: {  	v15 =	vand.u32 $0xF, v19  }
0x9d: {  	v15 =	vor.u32 v3, v15;
	v14 =	vand.u32 $0xF, v20  }
0x9e: {  	v14 =	vor.u32 v3, v14  }
0x9f: {  	v12 =	vadd.f32 v12, v13  }
0xa0: {  	v21 =	vld [tilespmem:$0xC0]  }
0xa1: {  	v22 =	vld [tilespmem:$0x2C0];
	[tilespmem:$0x118A0] =	vst v12  }
0xa2: {  	v15 =	vld.idx.msk [tilespmem:v15+s17+$0x0], $0xffff  }
0xa3: {  	v14 =	vld.idx.msk [tilespmem:v14+s19+$0x0], $0xffff;
	_ =	sdelay $0x1  }
0xa4: {  	v13 =	vand.u32 $0xF, v21  }
0xa5: {  	v13 =	vor.u32 v4, v13;
	v12 =	vand.u32 $0xF, v22  }
0xa6: {  	v12 =	vor.u32 v4, v12  }
0xa7: {  	v14 =	vadd.f32 v14, v15  }
0xa8: {  	v23 =	vld [tilespmem:$0xD0]  }
0xa9: {  	v24 =	vld [tilespmem:$0x2D0];
	[tilespmem:$0x118B0] =	vst v14  }
0xaa: {  	v13 =	vld.idx.msk [tilespmem:v13+s17+$0x0], $0xffff  }
0xab: {  	v12 =	vld.idx.msk [tilespmem:v12+s19+$0x0], $0xffff;
	_ =	sdelay $0x1  }
0xac: {  	v15 =	vand.u32 $0xF, v23  }
0xad: {  	v15 =	vor.u32 v5, v15;
	v14 =	vand.u32 $0xF, v24  }
0xae: {  	v14 =	vor.u32 v5, v14  }
0xaf: {  	v12 =	vadd.f32 v12, v13  }
0xb0: {  	v25 =	vld [tilespmem:$0xE0]  }
0xb1: {  	v26 =	vld [tilespmem:$0x2E0];
	[tilespmem:$0x118C0] =	vst v12  }
0xb2: {  	v15 =	vld.idx.msk [tilespmem:v15+s17+$0x0], $0xffff  }
0xb3: {  	v14 =	vld.idx.msk [tilespmem:v14+s19+$0x0], $0xffff;
	_ =	sdelay $0x1  }
0xb4: {  	v13 =	vand.u32 $0xF, v25  }
0xb5: {  	v13 =	vor.u32 v6, v13;
	v12 =	vand.u32 $0xF, v26  }
0xb6: {  	v12 =	vor.u32 v6, v12  }
0xb7: {  	v14 =	vadd.f32 v14, v15  }
0xb8: {  	v27 =	vld [tilespmem:$0xF0]  }
0xb9: {  	v28 =	vld [tilespmem:$0x2F0];
	[tilespmem:$0x118D0] =	vst v14  }
0xba: {  	v13 =	vld.idx.msk [tilespmem:v13+s17+$0x0], $0xffff  }
0xbb: {  	v12 =	vld.idx.msk [tilespmem:v12+s19+$0x0], $0xffff;
	_ =	sdelay $0x1  }
0xbc: {  	v15 =	vand.u32 $0xF, v27  }
0xbd: {  	v15 =	vor.u32 v7, v15;
	v14 =	vand.u32 $0xF, v28  }
0xbe: {  	v14 =	vor.u32 v7, v14  }
0xbf: {  	v12 =	vadd.f32 v12, v13;
	_ =	sdelay $0x1  }
0xc0: {  	[tilespmem:$0x118E0] =	vst v12  }
0xc1: {  	v12 =	vld.idx.msk [tilespmem:v15+s17+$0x0], $0xffff  }
0xc2: {  	v29 =	vld.idx.msk [tilespmem:v14+s19+$0x0], $0xffff;
	_ =	sdelay $0x4  }
0xc3: {  	v12 =	vadd.f32 v29, v12;
	_ =	sdelay $0x1  }
0xc4: {  	[tilespmem:$0x118F0] =	vst v12  }
0xc5: {  	[tilespmem:s17], [sflag:$0x3] =	stream.indirect.gather [hbm4b:s5+s15], $0x10, s24, s15, $0xb8;
	[tilespmem:$0x11C00] =	vst v63  }
0xc6: {  	_ = 	snop  }
0xc7: {  	[tilespmem:s19], [sflag:$0x4] =	stream.indirect.gather [hbm4b:s6+s15], $0x10, s25, s15, $0xb8;
	[tilespmem:$0x11C00] =	vst v63  }
0xc8: {  	_ =	swait.ge [sflag:s20], $0x800  }
0xc9: {  	[sflag:s20] =	ssyncset.done $0x0  }
0xca: {  	[sflag:s20] =	ssyncadd.s32 $0xFFFFF800  }
0xcb: {  	_ =	swait.ge [sflag:s21], $0x800  }
0xcc: {  	[sflag:s21] =	ssyncset.done $0x0  }
0xcd: {  	[sflag:s21] =	ssyncadd.s32 $0xFFFFF800  }
0xce: {  	v30 =	vld [tilespmem:$0x100]  }
0xcf: {  	v31 =	vld [tilespmem:$0x300];
	_ =	sdelay $0x3  }
0xd0: {  	v12 =	vand.u32 $0xF, v30  }
0xd1: {  	v13 =	vand.u32 $0xF, v31;
	v12 =	vor.u32 v0, v12  }
0xd2: {  	v13 =	vor.u32 v0, v13;
	_ =	sdelay $0x1  }
0xd3: {  	v32 =	vld [tilespmem:$0x110]  }
0xd4: {  	v33 =	vld [tilespmem:$0x310]  }
0xd5: {  	v12 =	vld.idx.msk [tilespmem:v12+s17+$0x0], $0xffff  }
0xd6: {  	v13 =	vld.idx.msk [tilespmem:v13+s19+$0x0], $0xffff;
	_ =	sdelay $0x1  }
0xd7: {  	v14 =	vand.u32 $0xF, v32  }
0xd8: {  	v15 =	vand.u32 $0xF, v33;
	v14 =	vor.u32 v1, v14  }
0xd9: {  	v15 =	vor.u32 v1, v15  }
0xda: {  	v12 =	vadd.f32 v13, v12  }
0xdb: {  	v34 =	vld [tilespmem:$0x120]  }
0xdc: {  	v35 =	vld [tilespmem:$0x320];
	[tilespmem:$0x11900] =	vst v12  }
0xdd: {  	v14 =	vld.idx.msk [tilespmem:v14+s17+$0x0], $0xffff  }
0xde: {  	v15 =	vld.idx.msk [tilespmem:v15+s19+$0x0], $0xffff;
	_ =	sdelay $0x1  }
0xdf: {  	v13 =	vand.u32 $0xF, v34  }
0xe0: {  	v13 =	vor.u32 v2, v13;
	v12 =	vand.u32 $0xF, v35  }
0xe1: {  	v12 =	vor.u32 v2, v12  }
0xe2: {  	v14 =	vadd.f32 v15, v14  }
0xe3: {  	v36 =	vld [tilespmem:$0x130]  }
0xe4: {  	v37 =	vld [tilespmem:$0x330];
	[tilespmem:$0x11910] =	vst v14  }
0xe5: {  	v13 =	vld.idx.msk [tilespmem:v13+s17+$0x0], $0xffff  }
0xe6: {  	v12 =	vld.idx.msk [tilespmem:v12+s19+$0x0], $0xffff;
	_ =	sdelay $0x1  }
0xe7: {  	v15 =	vand.u32 $0xF, v36  }
0xe8: {  	v15 =	vor.u32 v3, v15;
	v14 =	vand.u32 $0xF, v37  }
0xe9: {  	v14 =	vor.u32 v3, v14  }
0xea: {  	v12 =	vadd.f32 v12, v13  }
0xeb: {  	v38 =	vld [tilespmem:$0x140]  }
0xec: {  	v39 =	vld [tilespmem:$0x340];
	[tilespmem:$0x11920] =	vst v12  }
0xed: {  	v15 =	vld.idx.msk [tilespmem:v15+s17+$0x0], $0xffff  }
0xee: {  	v14 =	vld.idx.msk [tilespmem:v14+s19+$0x0], $0xffff;
	_ =	sdelay $0x1  }
0xef: {  	v13 =	vand.u32 $0xF, v38  }
0xf0: {  	v13 =	vor.u32 v4, v13;
	v12 =	vand.u32 $0xF, v39  }
0xf1: {  	v12 =	vor.u32 v4, v12  }
0xf2: {  	v14 =	vadd.f32 v14, v15  }
0xf3: {  	v40 =	vld [tilespmem:$0x150]  }
0xf4: {  	v41 =	vld [tilespmem:$0x350];
	[tilespmem:$0x11930] =	vst v14  }
0xf5: {  	v13 =	vld.idx.msk [tilespmem:v13+s17+$0x0], $0xffff  }
0xf6: {  	v12 =	vld.idx.msk [tilespmem:v12+s19+$0x0], $0xffff;
	_ =	sdelay $0x1  }
0xf7: {  	v15 =	vand.u32 $0xF, v40  }
0xf8: {  	v15 =	vor.u32 v5, v15;
	v14 =	vand.u32 $0xF, v41  }
0xf9: {  	v14 =	vor.u32 v5, v14  }
0xfa: {  	v12 =	vadd.f32 v12, v13  }
0xfb: {  	v42 =	vld [tilespmem:$0x160]  }
0xfc: {  	v43 =	vld [tilespmem:$0x360];
	[tilespmem:$0x11940] =	vst v12  }
0xfd: {  	v15 =	vld.idx.msk [tilespmem:v15+s17+$0x0], $0xffff  }
0xfe: {  	v14 =	vld.idx.msk [tilespmem:v14+s19+$0x0], $0xffff;
	_ =	sdelay $0x1  }
0xff: {  	v13 =	vand.u32 $0xF, v42  }
0x100: {  	v13 =	vor.u32 v6, v13;
	v12 =	vand.u32 $0xF, v43  }
0x101: {  	v12 =	vor.u32 v6, v12  }
0x102: {  	v14 =	vadd.f32 v14, v15  }
0x103: {  	v44 =	vld [tilespmem:$0x170]  }
0x104: {  	v45 =	vld [tilespmem:$0x370];
	[tilespmem:$0x11950] =	vst v14  }
0x105: {  	v13 =	vld.idx.msk [tilespmem:v13+s17+$0x0], $0xffff  }
0x106: {  	v12 =	vld.idx.msk [tilespmem:v12+s19+$0x0], $0xffff;
	_ =	sdelay $0x1  }
0x107: {  	v15 =	vand.u32 $0xF, v44  }
0x108: {  	v15 =	vor.u32 v7, v15;
	v14 =	vand.u32 $0xF, v45  }
0x109: {  	v14 =	vor.u32 v7, v14  }
0x10a: {  	v12 =	vadd.f32 v12, v13;
	_ =	sdelay $0x1  }
0x10b: {  	[tilespmem:$0x11960] =	vst v12  }
0x10c: {  	v12 =	vld.idx.msk [tilespmem:v15+s17+$0x0], $0xffff  }
0x10d: {  	v46 =	vld.idx.msk [tilespmem:v14+s19+$0x0], $0xffff;
	_ =	sdelay $0x4  }
0x10e: {  	v12 =	vadd.f32 v46, v12;
	_ =	sdelay $0x1  }
0x10f: {  	[tilespmem:$0x11970] =	vst v12  }
0x110: {  	[tilespmem:s17], [sflag:$0x3] =	stream.indirect.gather [hbm4b:s5+s15], $0x10, s26, s15, $0xb8;
	[tilespmem:$0x11C00] =	vst v63  }
0x111: {  	_ = 	snop  }
0x112: {  	[tilespmem:s19], [sflag:$0x4] =	stream.indirect.gather [hbm4b:s6+s15], $0x10, s28, s15, $0xb8;
	[tilespmem:$0x11C00] =	vst v63  }
0x113: {  	_ =	swait.ge [sflag:s20], $0x800  }
0x114: {  	[sflag:s20] =	ssyncset.done $0x0  }
0x115: {  	[sflag:s20] =	ssyncadd.s32 $0xFFFFF800  }
0x116: {  	_ =	swait.ge [sflag:s21], $0x800  }
0x117: {  	[sflag:s21] =	ssyncset.done $0x0  }
0x118: {  	[sflag:s21] =	ssyncadd.s32 $0xFFFFF800  }
0x119: {  	v47 =	vld [tilespmem:$0x180]  }
0x11a: {  	v48 =	vld [tilespmem:$0x380];
	_ =	sdelay $0x3  }
0x11b: {  	v12 =	vand.u32 $0xF, v47  }
0x11c: {  	v13 =	vand.u32 $0xF, v48;
	v12 =	vor.u32 v0, v12  }
0x11d: {  	v13 =	vor.u32 v0, v13;
	_ =	sdelay $0x1  }
0x11e: {  	v49 =	vld [tilespmem:$0x190]  }
0x11f: {  	v50 =	vld [tilespmem:$0x390]  }
0x120: {  	v12 =	vld.idx.msk [tilespmem:v12+s17+$0x0], $0xffff  }
0x121: {  	v13 =	vld.idx.msk [tilespmem:v13+s19+$0x0], $0xffff;
	_ =	sdelay $0x1  }
0x122: {  	v14 =	vand.u32 $0xF, v49  }
0x123: {  	v15 =	vand.u32 $0xF, v50;
	v14 =	vor.u32 v1, v14  }
0x124: {  	v15 =	vor.u32 v1, v15  }
0x125: {  	v12 =	vadd.f32 v13, v12  }
0x126: {  	v51 =	vld [tilespmem:$0x1A0]  }
0x127: {  	v52 =	vld [tilespmem:$0x3A0];
	[tilespmem:$0x11980] =	vst v12  }
0x128: {  	v14 =	vld.idx.msk [tilespmem:v14+s17+$0x0], $0xffff  }
0x129: {  	v15 =	vld.idx.msk [tilespmem:v15+s19+$0x0], $0xffff;
	_ =	sdelay $0x1  }
0x12a: {  	v13 =	vand.u32 $0xF, v51  }
0x12b: {  	v13 =	vor.u32 v2, v13;
	v12 =	vand.u32 $0xF, v52  }
0x12c: {  	v12 =	vor.u32 v2, v12  }
0x12d: {  	v14 =	vadd.f32 v15, v14  }
0x12e: {  	v53 =	vld [tilespmem:$0x1B0]  }
0x12f: {  	v54 =	vld [tilespmem:$0x3B0];
	[tilespmem:$0x11990] =	vst v14  }
0x130: {  	v13 =	vld.idx.msk [tilespmem:v13+s17+$0x0], $0xffff  }
0x131: {  	v12 =	vld.idx.msk [tilespmem:v12+s19+$0x0], $0xffff;
	_ =	sdelay $0x1  }
0x132: {  	v15 =	vand.u32 $0xF, v53  }
0x133: {  	v15 =	vor.u32 v3, v15;
	v14 =	vand.u32 $0xF, v54  }
0x134: {  	v14 =	vor.u32 v3, v14  }
0x135: {  	v12 =	vadd.f32 v12, v13  }
0x136: {  	v55 =	vld [tilespmem:$0x1C0]  }
0x137: {  	v56 =	vld [tilespmem:$0x3C0];
	[tilespmem:$0x119A0] =	vst v12  }
0x138: {  	v15 =	vld.idx.msk [tilespmem:v15+s17+$0x0], $0xffff  }
0x139: {  	v14 =	vld.idx.msk [tilespmem:v14+s19+$0x0], $0xffff;
	_ =	sdelay $0x1  }
0x13a: {  	v13 =	vand.u32 $0xF, v55  }
0x13b: {  	v13 =	vor.u32 v4, v13;
	v12 =	vand.u32 $0xF, v56  }
0x13c: {  	v12 =	vor.u32 v4, v12  }
0x13d: {  	v14 =	vadd.f32 v14, v15  }
0x13e: {  	v57 =	vld [tilespmem:$0x1D0]  }
0x13f: {  	v58 =	vld [tilespmem:$0x3D0];
	[tilespmem:$0x119B0] =	vst v14  }
0x140: {  	v13 =	vld.idx.msk [tilespmem:v13+s17+$0x0], $0xffff  }
0x141: {  	v12 =	vld.idx.msk [tilespmem:v12+s19+$0x0], $0xffff;
	_ =	sdelay $0x1  }
0x142: {  	v15 =	vand.u32 $0xF, v57  }
0x143: {  	v15 =	vor.u32 v5, v15;
	v14 =	vand.u32 $0xF, v58  }
0x144: {  	v14 =	vor.u32 v5, v14  }
0x145: {  	v12 =	vadd.f32 v12, v13  }
0x146: {  	v59 =	vld [tilespmem:$0x1E0]  }
0x147: {  	v60 =	vld [tilespmem:$0x3E0];
	[tilespmem:$0x119C0] =	vst v12  }
0x148: {  	v15 =	vld.idx.msk [tilespmem:v15+s17+$0x0], $0xffff  }
0x149: {  	v14 =	vld.idx.msk [tilespmem:v14+s19+$0x0], $0xffff;
	_ =	sdelay $0x1  }
0x14a: {  	v13 =	vand.u32 $0xF, v59  }
0x14b: {  	v13 =	vor.u32 v6, v13;
	v12 =	vand.u32 $0xF, v60  }
0x14c: {  	v12 =	vor.u32 v6, v12  }
0x14d: {  	v14 =	vadd.f32 v14, v15  }
0x14e: {  	v61 =	vld [tilespmem:$0x1F0]  }
0x14f: {  	v62 =	vld [tilespmem:$0x3F0];
	[tilespmem:$0x119D0] =	vst v14  }
0x150: {  	v13 =	vld.idx.msk [tilespmem:v13+s17+$0x0], $0xffff  }
0x151: {  	v12 =	vld.idx.msk [tilespmem:v12+s19+$0x0], $0xffff;
	_ =	sdelay $0x1  }
0x152: {  	v15 =	vand.u32 $0xF, v61  }
0x153: {  	v15 =	vor.u32 v7, v15;
	v14 =	vand.u32 $0xF, v62  }
0x154: {  	v14 =	vor.u32 v7, v14  }
0x155: {  	v12 =	vadd.f32 v12, v13;
	_ =	sdelay $0x1  }
0x156: {  	[tilespmem:$0x119E0] =	vst v12  }
0x157: {  	v12 =	vld.idx.msk [tilespmem:v15+s17+$0x0], $0xffff  }
0x158: {  	v63 =	vld.idx.msk [tilespmem:v14+s19+$0x0], $0xffff;
	_ =	sdelay $0x4  }
0x159: {  	v12 =	vadd.f32 v63, v12;
	_ =	sdelay $0x1  }
0x15a: {  	[tilespmem:$0x119F0] =	vst v12  }
0x15b: {  	_ =	swait.ge [sflag:s29], $0x8000  }
0x15c: {  	[sflag:s29] =	ssyncset.done $0x0  }
0x15d: {  	[sflag:s29] =	ssyncadd.s32 $0xFFFF8000  }
0x15e: {  	_ =	swait.ge [sflag:s30], $0x8000  }
0x15f: {  	[sflag:s30] =	ssyncset.done $0x0  }
0x160: {  	s13 =	simm.s32 $0xA00;
	s14 =	simm.s32 $0x8A00;
	[sflag:s30] =	ssyncadd.s32 $0xFFFF8000  }
.LBB2_4:
0x161: {  	v13 =	vld [tilespmem:s13+$0xFFFFFE00]  }
0x162: {  	v14 =	vld [tilespmem:s14+$0xFFFFFE00]  }
0x163: {  	v15 =	vld [tilespmem:s13+$0xFFFFFE10]  }
0x164: {  	v16 =	vld [tilespmem:s14+$0xFFFFFE10]  }
0x165: {  	v17 =	vld [tilespmem:s13+$0xFFFFFE20]  }
0x166: {  	v18 =	vld [tilespmem:s14+$0xFFFFFE20]  }
0x167: {  	v19 =	vld [tilespmem:s13+$0xFFFFFE30]  }
0x168: {  	v20 =	vld [tilespmem:s14+$0xFFFFFE30]  }
0x169: {  	v21 =	vld [tilespmem:s13+$0xFFFFFE40]  }
0x16a: {  	v22 =	vld [tilespmem:s14+$0xFFFFFE40]  }
0x16b: {  	v23 =	vld [tilespmem:s13+$0xFFFFFE50]  }
0x16c: {  	v24 =	vld [tilespmem:s14+$0xFFFFFE50]  }
0x16d: {  	v25 =	vld [tilespmem:s13+$0xFFFFFE60]  }
0x16e: {  	v26 =	vld [tilespmem:s14+$0xFFFFFE60]  }
0x16f: {  	v27 =	vld [tilespmem:s13+$0xFFFFFE70]  }
0x170: {  	v28 =	vld [tilespmem:s14+$0xFFFFFE70]  }
0x171: {  	v29 =	vld [tilespmem:s13+$0xFFFFFE80]  }
0x172: {  	v30 =	vld [tilespmem:s14+$0xFFFFFE80]  }
0x173: {  	v31 =	vld [tilespmem:s13+$0xFFFFFE90]  }
0x174: {  	v32 =	vld [tilespmem:s14+$0xFFFFFE90]  }
0x175: {  	v33 =	vld [tilespmem:s13+$0xFFFFFEA0]  }
0x176: {  	v34 =	vld [tilespmem:s14+$0xFFFFFEA0]  }
0x177: {  	v35 =	vld [tilespmem:s13+$0xFFFFFEB0]  }
0x178: {  	v36 =	vld [tilespmem:s14+$0xFFFFFEB0]  }
0x179: {  	v37 =	vld [tilespmem:s13+$0xFFFFFEC0]  }
0x17a: {  	v38 =	vld [tilespmem:s14+$0xFFFFFEC0]  }
0x17b: {  	v39 =	vld [tilespmem:s13+$0xFFFFFED0]  }
0x17c: {  	v40 =	vld [tilespmem:s14+$0xFFFFFED0]  }
0x17d: {  	v41 =	vld [tilespmem:s13+$0xFFFFFEE0]  }
0x17e: {  	v42 =	vld [tilespmem:s14+$0xFFFFFEE0]  }
0x17f: {  	v43 =	vld [tilespmem:s13+$0xFFFFFEF0]  }
0x180: {  	v44 =	vld [tilespmem:s14+$0xFFFFFEF0]  }
0x181: {  	v45 =	vld [tilespmem:s13+$0xFFFFFF00]  }
0x182: {  	v46 =	vld [tilespmem:s14+$0xFFFFFF00]  }
0x183: {  	v47 =	vld [tilespmem:s13+$0xFFFFFF10]  }
0x184: {  	v48 =	vld [tilespmem:s14+$0xFFFFFF10]  }
0x185: {  	v49 =	vld [tilespmem:s13+$0xFFFFFF20]  }
0x186: {  	v50 =	vld [tilespmem:s14+$0xFFFFFF20]  }
0x187: {  	v51 =	vld [tilespmem:s13+$0xFFFFFF30]  }
0x188: {  	v52 =	vld [tilespmem:s14+$0xFFFFFF30]  }
0x189: {  	v53 =	vld [tilespmem:s13+$0xFFFFFF40]  }
0x18a: {  	v54 =	vld [tilespmem:s14+$0xFFFFFF40]  }
0x18b: {  	v55 =	vld [tilespmem:s13+$0xFFFFFF50]  }
0x18c: {  	v56 =	vld [tilespmem:s14+$0xFFFFFF50]  }
0x18d: {  	v57 =	vld [tilespmem:s13+$0xFFFFFF60]  }
0x18e: {  	v58 =	vld [tilespmem:s14+$0xFFFFFF60]  }
0x18f: {  	v59 =	vld [tilespmem:s13+$0xFFFFFF70]  }
0x190: {  	v60 =	vld [tilespmem:s14+$0xFFFFFF70]  }
0x191: {  	v61 =	vld [tilespmem:s13+$0xFFFFFF80]  }
0x192: {  	v62 =	vld [tilespmem:s14+$0xFFFFFF80]  }
0x193: {  	v63 =	vld [tilespmem:s13+$0xFFFFFF90]  }
0x194: {  	v1 =	vld [tilespmem:s14+$0xFFFFFF90]  }
0x195: {  	v2 =	vld [tilespmem:s13+$0xFFFFFFA0]  }
0x196: {  	v3 =	vld [tilespmem:s14+$0xFFFFFFA0]  }
0x197: {  	v4 =	vld [tilespmem:s13+$0xFFFFFFB0]  }
0x198: {  	s16 =	sshra.s32 s1, $0x2;
	v5 =	vld [tilespmem:s14+$0xFFFFFFB0]  }
0x199: {  	v12 =	vld [tilespmem:s16+$0x11800]  }
0x19a: {  	v13 =	vmul.f32 v14, v13;
	v14 =	vmul.f32 v16, v15;
	v15 =	vld [tilespmem:s13+$0xFFFFFFC0]  }
0x19b: {  	v16 =	vmul.f32 v22, v21;
	v22 =	vld [tilespmem:s14+$0xFFFFFFC0]  }
0x19c: {  	v21 =	vmul.f32 v24, v23;
	v24 =	vmul.f32 v18, v17;
	v17 =	vld [tilespmem:s13+$0xFFFFFFD0]  }
0x19d: {  	v25 =	vmul.f32 v26, v25;
	v26 =	vmul.f32 v20, v19;
	v19 =	vld [tilespmem:s13+$0xFFFFFFE0]  }
0x19e: {  	v20 =	vld [tilespmem:s14+$0xFFFFFFE0]  }
0x19f: {  	v28 =	vmul.f32 v28, v27;
	v30 =	vmul.f32 v30, v29;
	v27 =	vld [tilespmem:s13+$0x10]  }
0x1a0: {  	v32 =	vmul.f32 v32, v31;
	v38 =	vmul.f32 v38, v37;
	v29 =	vld [tilespmem:s14+$0x10]  }
0x1a1: {  	v39 =	vmul.f32 v40, v39;
	v33 =	vmul.f32 v34, v33;
	v23 =	vld [tilespmem:s13+$0x20]  }
0x1a2: {  	v31 =	vld [tilespmem:s13+$0x40];
	v45 =	vmul.f32 v46, v45;
	v47 =	vmul.f32 v48, v47  }
0x1a3: {  	v2 =	vmul.f32 v3, v2;
	v3 =	vmul.f32 v5, v4;
	v4 =	vld [tilespmem:s13+$0xD0];
	v13 =	vadd.f32 v14, v13  }
0x1a4: {  	v37 =	vmul.f32 v42, v41;
	v16 =	vadd.f32 v21, v16;
	v21 =	vld [tilespmem:s14+$0xFFFFFFD0];
	v14 =	vadd.f32 v32, v30  }
0x1a5: {  	v49 =	vmul.f32 v50, v49;
	v18 =	vadd.f32 v39, v38;
	v30 =	vld [tilespmem:s14+$0x0];
	v32 =	vadd.f32 v47, v45  }
0x1a6: {  	v38 =	vmul.f32 v36, v35;
	v36 =	vld [tilespmem:s14+$0x50];
	v13 =	vadd.f32 v24, v13;
	v16 =	vadd.f32 v25, v16  }
0x1a7: {  	v39 =	vmul.f32 v44, v43;
	v47 =	vld [tilespmem:s14+$0x70];
	v14 =	vadd.f32 v33, v14;
	v18 =	vadd.f32 v37, v18  }
0x1a8: {  	v1 =	vmul.f32 v1, v63;
	v37 =	vld [tilespmem:s14+$0x40];
	v13 =	vadd.f32 v26, v13;
	v16 =	vadd.f32 v28, v16  }
0x1a9: {  	v45 =	vld [tilespmem:s13+$0x90];
	v15 =	vmul.f32 v22, v15;
	v14 =	vadd.f32 v38, v14;
	v18 =	vadd.f32 v39, v18  }
0x1aa: {  	v24 =	vld [tilespmem:s13+$0xFFFFFFF0];
	v40 =	vperm.xlane v13, v8;
	v34 =	vperm.xlane v16, v8  }
0x1ab: {  	v25 =	vld [tilespmem:s14+$0x20];
	v42 =	vperm.xlane v14, v8;
	v43 =	vperm.xlane v18, v8  }
0x1ac: {  	v33 =	vld [tilespmem:s13+$0x30];
	v17 =	vmul.f32 v21, v17;
	v13 =	vadd.f32 v13, v40;
	v16 =	vadd.f32 v16, v34  }
0x1ad: {  	v26 =	vld [tilespmem:s14+$0xFFFFFFF0];
	v63 =	vmul.f32 v37, v31;
	v14 =	vadd.f32 v14, v42;
	v18 =	vadd.f32 v18, v43  }
0x1ae: {  	v5 =	vadd.f32 v17, v15;
	v17 =	vld [tilespmem:s14+$0xD0];
	v40 =	vperm.xlane v13, v9;
	v41 =	vperm.xlane v16, v9  }
0x1af: {  	v32 =	vadd.f32 v49, v32;
	v28 =	vld [tilespmem:s13+$0x0];
	v46 =	vperm.xlane v14, v9;
	v48 =	vperm.xlane v18, v9  }
0x1b0: {  	v13 =	vadd.f32 v13, v40;
	v16 =	vadd.f32 v16, v41;
	v40 =	vld [tilespmem:s13+$0x50];
	v41 =	vmul.f32 v52, v51  }
0x1b1: {  	v39 =	vld [tilespmem:s13+$0x60];
	v18 =	vadd.f32 v18, v48;
	v48 =	vmul.f32 v54, v53;
	v53 =	vmul.f32 v58, v57  }
0x1b2: {  	v38 =	vld [tilespmem:s14+$0xB0];
	v14 =	vadd.f32 v14, v46;
	v35 =	vperm.xlane v13, v10;
	v44 =	vperm.xlane v16, v10  }
0x1b3: {  	v21 =	vld [tilespmem:s14+$0xC0];
	v4 =	vmul.f32 v17, v4;
	v51 =	vperm.xlane v18, v10;
	v32 =	vadd.f32 v41, v32  }
0x1b4: {  	v15 =	vld [tilespmem:s14+$0xF0];
	v52 =	vperm.xlane v14, v10;
	v13 =	vadd.f32 v13, v35;
	v16 =	vadd.f32 v16, v44  }
0x1b5: {  	v31 =	vld [tilespmem:s13+$0x120];
	v18 =	vadd.f32 v18, v51;
	v54 =	vperm.xlane v32, v8;
	v37 =	vmul.f32 v36, v40  }
0x1b6: {  	v14 =	vadd.f32 v14, v52;
	v51 =	vld [tilespmem:s13+$0xC0];
	v50 =	vperm.xlane v13, v11;
	v49 =	vperm.xlane v16, v11  }
0x1b7: {  	v44 =	vld [tilespmem:s13+$0x70];
	v57 =	vadd.f32 v32, v54;
	v58 =	vperm.xlane v18, v11;
	v54 =	vmul.f32 v62, v61  }
0x1b8: {  	v34 =	vld [tilespmem:s14+$0x30];
	v35 =	vadd.f32 v13, v50;
	v50 =	vmul.f32 v56, v55;
	v55 =	vperm.xlane v14, v11  }
0x1b9: {  	v42 =	vld [tilespmem:s14+$0x60];
	v16 =	vadd.f32 v16, v49;
	v56 =	vmul.f32 v60, v59;
	v59 =	vperm.xlane v57, v9  }
0x1ba: {  	v43 =	vld [tilespmem:s14+$0xA0];
	v18 =	vadd.f32 v18, v58;
	v1 =	vadd.f32 v1, v54;
	v58 =	vmul.f32 v26, v24  }
0x1bb: {  	v46 =	vld [tilespmem:s14+$0x80];
	v21 =	vmul.f32 v21, v51;
	v35 =	vadd.f32 v35, v12;
	v52 =	vadd.f32 v50, v48  }
0x1bc: {  	v13 =	vld [tilespmem:s13+$0x80];
	v54 =	vmul.f32 v47, v44;
	v14 =	vadd.f32 v14, v55;
	v1 =	vadd.f32 v2, v1  }
0x1bd: {  	v36 =	vld [tilespmem:s13+$0x140];
	v55 =	vmul.f32 v20, v19;
	v4 =	vadd.f32 v4, v21;
	v41 =	vadd.f32 v53, v52  }
0x1be: {  	v32 =	vld [tilespmem:s13+$0xA0];
	v35 =	vsel vm0, v35, v12;
	v12 =	vadd.f32 v16, v12;
	v16 =	vadd.f32 v57, v59  }
0x1bf: {  	v24 =	vld [tilespmem:s14+$0xE0];
	v2 =	vmul.f32 v30, v28;
	v5 =	vadd.f32 v55, v5;
	v1 =	vadd.f32 v3, v1  }
0x1c0: {  	v20 =	vld [tilespmem:s13+$0xE0];
	v3 =	vmul.f32 v25, v23;
	v23 =	vadd.f32 v37, v63;
	v41 =	vadd.f32 v56, v41  }
0x1c1: {  	v49 =	vld [tilespmem:s14+$0x90];
	v52 =	vmul.f32 v42, v39;
	v14 =	vadd.f32 v14, v35;
	v46 =	vmul.f32 v46, v13  }
0x1c2: {  	v19 =	vld [tilespmem:s13+$0xF0];
	v12 =	vsel vm1, v35, v12;
	v56 =	vmul.f32 v29, v27;
	v60 =	vperm.xlane v41, v8  }
0x1c3: {  	v26 =	vld [tilespmem:s13+$0x100];
	v59 =	vperm.xlane v16, v10;
	v5 =	vadd.f32 v58, v5;
	v23 =	vadd.f32 v52, v23  }
0x1c4: {  	v47 =	vld [tilespmem:s13+$0x190];
	v52 =	vmul.f32 v43, v32;
	v35 =	vadd.f32 v41, v60;
	v60 =	vperm.xlane v1, v8  }
0x1c5: {  	v50 =	vld [tilespmem:s13+$0xB0];
	v14 =	vsel vm2, v12, v14;
	v20 =	vmul.f32 v24, v20;
	v61 =	vperm.xlane v5, v8  }
0x1c6: {  	v51 =	vld [tilespmem:s13+$0x1A0];
	v2 =	vadd.f32 v56, v2;
	v57 =	vperm.xlane v35, v9;
	v1 =	vadd.f32 v1, v60  }
0x1c7: {  	v28 =	vld [tilespmem:s13+$0x130];
	v15 =	vmul.f32 v15, v19;
	v16 =	vadd.f32 v16, v59;
	v5 =	vadd.f32 v5, v61  }
0x1c8: {  	v30 =	vld [tilespmem:s14+$0x130];
	v23 =	vadd.f32 v54, v23;
	v22 =	vadd.f32 v35, v57;
	v40 =	vperm.xlane v1, v9  }
0x1c9: {  	v25 =	vld [tilespmem:s14+$0x140];
	v2 =	vadd.f32 v3, v2;
	v3 =	vmul.f32 v34, v33;
	v48 =	vperm.xlane v5, v9  }
0x1ca: {  	v39 =	vld [tilespmem:s13+$0x160];
	v54 =	vmul.f32 v38, v50;
	v62 =	vperm.xlane v22, v10;
	v1 =	vadd.f32 v1, v40  }
0x1cb: {  	v37 =	vld [tilespmem:s14+$0x170];
	v53 =	vperm.xlane v16, v11;
	v2 =	vadd.f32 v3, v2;
	v5 =	vadd.f32 v5, v48  }
0x1cc: {  	v27 =	vld [tilespmem:s14+$0x100];
	v59 =	vperm.xlane v23, v8;
	v22 =	vadd.f32 v22, v62;
	v55 =	vperm.xlane v1, v10  }
0x1cd: {  	v29 =	vld [tilespmem:s14+$0x110];
	v18 =	vadd.f32 v18, v12;
	v41 =	vperm.xlane v2, v8;
	v58 =	vperm.xlane v5, v10  }
0x1ce: {  	v32 =	vld [tilespmem:s14+$0x1D0];
	v16 =	vadd.f32 v16, v53;
	v57 =	vperm.xlane v22, v11;
	v1 =	vadd.f32 v1, v55  }
0x1cf: {  	v14 =	vsel vm3, v14, v18;
	v18 =	vld [tilespmem:s13+$0x150];
	v2 =	vadd.f32 v2, v41;
	v5 =	vadd.f32 v5, v58  }
0x1d0: {  	v34 =	vld [tilespmem:s14+$0x120];
	v23 =	vadd.f32 v23, v59;
	v22 =	vadd.f32 v22, v57;
	v60 =	vperm.xlane v1, v11  }
0x1d1: {  	v33 =	vld [tilespmem:s14+$0x160];
	v12 =	vadd.f32 v16, v12;
	v56 =	vperm.xlane v2, v9;
	v62 =	vperm.xlane v5, v11  }
0x1d2: {  	v3 =	vld [tilespmem:s13+$0x110];
	v63 =	vperm.xlane v23, v9;
	v22 =	vadd.f32 v22, v14;
	v1 =	vadd.f32 v1, v60  }
0x1d3: {  	v53 =	vld [tilespmem:s14+$0x1A0];
	v12 =	vsel vm4, v14, v12;
	v2 =	vadd.f32 v2, v56;
	v5 =	vadd.f32 v5, v62  }
0x1d4: {  	v4 =	vadd.f32 v20, v4;
	v35 =	vld [tilespmem:s14+$0x150];
	v22 =	vsel vm5, v12, v22;
	v1 =	vadd.f32 v1, v12  }
0x1d5: {  	v59 =	vld [tilespmem:s13+$0x1C0];
	v61 =	vperm.xlane v2, v10;
	v14 =	vadd.f32 v23, v63;
	v5 =	vadd.f32 v5, v22  }
0x1d6: {  	v48 =	vmul.f32 v49, v45;
	v49 =	vld [tilespmem:s14+$0x190];
	v38 =	vmul.f32 v33, v39;
	v1 =	vsel vm6, v22, v1  }
0x1d7: {  	v16 =	vld [tilespmem:s13+$0x170];
	v2 =	vadd.f32 v2, v61;
	v1 =	vsel vm7, v1, v5;
	v5 =	vperm.xlane v14, v10  }
0x1d8: {  	v4 =	vadd.f32 v15, v4;
	v39 =	vld [tilespmem:s13+$0x1F0];
	v3 =	vmul.f32 v29, v3;
	v17 =	vmul.f32 v53, v51  }
0x1d9: {  	v40 =	vld [tilespmem:s13+$0x180];
	v18 =	vmul.f32 v35, v18;
	v44 =	vperm.xlane v2, v11;
	v5 =	vadd.f32 v14, v5  }
0x1da: {  	v35 =	vperm.xlane v4, v8;
	v56 =	vmul.f32 v27, v26;
	v62 =	vld [tilespmem:s13+$0x1D0]  }
0x1db: {  	v13 =	vmul.f32 v49, v47;
	v23 =	vld [tilespmem:s14+$0x180];
	v2 =	vadd.f32 v2, v44;
	v58 =	vperm.xlane v5, v11  }
0x1dc: {  	v3 =	vadd.f32 v3, v56;
	v60 =	vmul.f32 v34, v31;
	v61 =	vld [tilespmem:s14+$0x1C0];
	v12 =	vadd.f32 v48, v46  }
0x1dd: {  	v16 =	vmul.f32 v37, v16;
	v55 =	vld [tilespmem:s13+$0x1B0];
	v2 =	vadd.f32 v2, v22;
	v5 =	vadd.f32 v5, v58  }
0x1de: {  	v31 =	vmul.f32 v30, v28;
	v34 =	vld [tilespmem:s13+$0x1E0];
	v3 =	vadd.f32 v60, v3;
	v12 =	vadd.f32 v52, v12  }
0x1df: {  	v2 =	vsel vm8, v1, v2;
	v1 =	vadd.f32 v5, v1;
	v5 =	vmul.f32 v25, v36;
	v36 =	vld [tilespmem:s14+$0x1E0]  }
0x1e0: {  	v57 =	vld [tilespmem:s14+$0x1B0];
	v15 =	vmul.f32 v32, v62;
	v3 =	vadd.f32 v31, v3;
	v23 =	vmul.f32 v23, v40  }
0x1e1: {  	v41 =	vld [tilespmem:s14+$0x1F0];
	v40 =	vmul.f32 v61, v59;
	v12 =	vadd.f32 v54, v12;
	v5 =	vadd.f32 v18, v5  }
0x1e2: {  	v4 =	vadd.f32 v4, v35;
	v42 =	vperm.xlane v3, v8;
	v13 =	vadd.f32 v13, v23  }
0x1e3: {  	v14 =	vadd.f32 v15, v40;
	v63 =	vperm.xlane v12, v8;
	v5 =	vadd.f32 v38, v5  }
0x1e4: {  	v3 =	vadd.f32 v3, v42;
	v13 =	vadd.f32 v17, v13;
	v43 =	vmul.f32 v36, v34  }
0x1e5: {  	v44 =	vmul.f32 v57, v55;
	v12 =	vadd.f32 v12, v63;
	v5 =	vadd.f32 v16, v5  }
0x1e6: {  	v46 =	vmul.f32 v41, v39;
	v49 =	vperm.xlane v3, v9;
	v14 =	vadd.f32 v43, v14  }
0x1e7: {  	v13 =	vadd.f32 v44, v13;
	v45 =	vperm.xlane v12, v9;
	v48 =	vperm.xlane v5, v8  }
0x1e8: {  	v47 =	vperm.xlane v4, v9;
	v3 =	vadd.f32 v3, v49;
	v14 =	vadd.f32 v46, v14  }
0x1e9: {  	v50 =	vperm.xlane v13, v8;
	v12 =	vadd.f32 v12, v45;
	v5 =	vadd.f32 v5, v48  }
0x1ea: {  	v4 =	vadd.f32 v4, v47;
	v54 =	vperm.xlane v3, v10;
	v52 =	vperm.xlane v14, v8  }
0x1eb: {  	v13 =	vadd.f32 v13, v50;
	v51 =	vperm.xlane v12, v10;
	v53 =	vperm.xlane v5, v9  }
0x1ec: {  	v18 =	vperm.xlane v4, v10;
	v1 =	vsel vm9, v2, v1;
	v14 =	vadd.f32 v14, v52  }
0x1ed: {  	v55 =	vperm.xlane v13, v9;
	v12 =	vadd.f32 v12, v51;
	v5 =	vadd.f32 v5, v53  }
0x1ee: {  	v3 =	vadd.f32 v3, v54;
	v4 =	vadd.f32 v4, v18;
	v56 =	vperm.xlane v14, v9  }
0x1ef: {  	v13 =	vadd.f32 v13, v55;
	v17 =	vperm.xlane v12, v11;
	v57 =	vperm.xlane v5, v10  }
0x1f0: {  	v59 =	vperm.xlane v3, v11;
	v58 =	vperm.xlane v4, v11;
	v14 =	vadd.f32 v14, v56  }
0x1f1: {  	v60 =	vperm.xlane v13, v10;
	v12 =	vadd.f32 v12, v17;
	v5 =	vadd.f32 v5, v57  }
0x1f2: {  	v3 =	vadd.f32 v3, v59;
	v4 =	vadd.f32 v4, v58;
	v61 =	vperm.xlane v14, v10  }
0x1f3: {  	v13 =	vadd.f32 v13, v60;
	v2 =	vadd.f32 v12, v2;
	v62 =	vperm.xlane v5, v11  }
0x1f4: {  	v4 =	vadd.f32 v4, v1;
	v12 =	vadd.f32 v14, v61  }
0x1f5: {  	v63 =	vperm.xlane v13, v11;
	v2 =	vsel vm10, v1, v2;
	v5 =	vadd.f32 v5, v62  }
0x1f6: {  	v1 =	vadd.f32 v3, v1;
	v2 =	vsel vm11, v2, v4;
	v3 =	vperm.xlane v12, v11  }
0x1f7: {  	v4 =	vadd.f32 v13, v63;
	v5 =	vadd.f32 v5, v2  }
0x1f8: {  	p0 =	sne.s32 s1, $0x7C0;
	v1 =	vsel vm12, v2, v1;
	v2 =	vadd.f32 v12, v3  }
.Ltmp1:
0x1f9: {  	v3 =	vsel vm13, v1, v5;
	v1 =	vadd.f32 v4, v1;
	(pc) =	sbr.rel @p0 .LBB2_4-.Ltmp1, $4  }
0x1fa: {  	v2 =	vadd.f32 v2, v3  }
0x1fb: {  	v1 =	vsel vm14, v3, v1  }
0x1fc: {  	v1 =	vsel vm15, v1, v2  }
0x1fd: {  	s1 =	sadd.s32 $0x40, s1;
	s13 =	sadd.s32 $0x400, s13;
	s14 =	sadd.s32 $0x400, s14;
	[tilespmem:s16+$0x11A00] =	vst v1  }
0x1fe: {  	s0 =	sadd.s32 $0x1, s0  }
0x1ff: {  	p0 =	sne.s32 s0, s10  }
.Ltmp2:
0x200: {  	_ = 	snop;
	(pc) =	sbr.rel @p0 .LBB2_1-.Ltmp2, $4  }
0x201: {  	[hbm4b:s9+s2] =	stream.linear.scatter [tilespmem:s31], [sflag:$0x5], $0x200, $0x38;
	[tilespmem:$0x11C00] =	vst v63  }
0x202: {  	_ =	swait.ge [sflag:s11], $0x200  }
0x203: {  	[sflag:s11] =	ssyncset.done $0x0  }
0x204: {  	[sflag:s11] =	ssyncadd.s32 $0xFFFFFE00  }
0x205: {  	_ =	sfence.sel $0x180000  }
0x206: {  	[bflag:$0x0] =	sbarrier.arrive $0xFFFF  }
0x207: {  	_ =	strace $0x90000047  }
0x208: {  	s0 =	stileid.u32;
	[bflag:$0x2] =	sbarrier.arrive $0xFFFF  }
0x209: {  	p0 =	sne.s32 s0, $0x0;
	s0 =	rddreg [dreg:$0x2]  }
0x20a: {  	s0 =	sadd.s32 @!p0 $0x100000, s0  }
0x20b: {  	[sflag:s0] =	ssyncadd.tile.s32 @!p0 $0x1;
	_ =	shalt  }
.Lfunc_end2:
_tile_overlayer_lowered:
.L_overlay_start_2:
0x20c: {  	(tag) =	ssettag $0x2  }
0x20d: {  	s0 =	rddreg [dreg:$0x0];
	s2 =	stileid.u32  }
0x20e: {  	s1 =	rddreg [dreg:$0x1];
	p0 =	sne.s32 s2, $0x0  }
0x20f: {  	s3 =	rddreg [dreg:$0x2];
	[bflag:$0x3] =	sbarrier.arrive $0xFFFF;
	s2 =	simm.s32 @!p0 $0x1C05  }
0x210: {  	[timem:s3], [sflag:s2] =	dma.local @!p0 [hbm:s0], s1  }
0x211: {  	s0 =	simm.s32 @!p0 $0x5  }
0x212: {  	_ =	swait.ge @!p0 [sflag:s0], s1  }
0x213: {  	s1 =	ssub.s32 @!p0 $0x0, s1;
	[sflag:s0] =	ssyncset.done @!p0 $0x0  }
0x214: {  	[sflag:s0] =	ssyncadd.s32 @!p0 s1  }
0x215: {  	[bflag:$0x3] =	sbarrier.arrive $0xFFFF  }
0x216: {  	_ =	shalt  }

</sc_bundles>
